<compile_context>
chip_gen: v7x
topology: tpu7x:2x2x1
jax: 0.10.2.dev20260603
libtpu: 0.0.44.dev20260713+nightly
codegen_flags: <defaults>
</compile_context>

<pallas_src>
import functools

import jax
import jax.numpy as jnp
from jax import lax
from jax.experimental import pallas as pl
from jax.experimental.pallas import tpu as pltpu
from jax.experimental.pallas import tpu_sc as plsc

B = 4096
C = 20
V = 100000
D = 64
N_NEGS = 20
K_REAL = C + C * N_NEGS
K = 432
NW = 32
BPW = B // NW
CHUNKS = ((0, 128), (128, 128), (256, 128), (384, 48))
RED_BS = 512


def _make_sc_dots(b, d, k, bpw, chunks, interpret=False):
    nw = b // bpw
    nc, ns = 2, 16
    assert nw == nc * ns
    mesh = plsc.VectorSubcoreMesh(
        core_axis_name="c", subcore_axis_name="s",
        num_cores=nc, num_subcores=ns)
    nt = d // 16

    kn = 400
    ko = 20

    @functools.partial(
        pl.kernel,
        out_type=jax.ShapeDtypeStruct((b, k), jnp.float32),
        mesh=mesh,
        interpret=interpret,
        compiler_params=pltpu.CompilerParams(
            needs_layout_passes=False, use_tc_tiling_on_sc=False),
        scratch_types=[
            pltpu.VMEM((bpw,), jnp.int32),
            pltpu.VMEM((bpw, d), jnp.float32),
            pltpu.VMEM((bpw, ko), jnp.int32),
            pltpu.VMEM((bpw, kn), jnp.int32),
            pltpu.VMEM((2, k, d), jnp.bfloat16),
            pltpu.VMEM((k,), jnp.float32),
            pltpu.SemaphoreType.DMA,
            pltpu.SemaphoreType.DMA,
            pltpu.SemaphoreType.DMA,
        ],
    )
    def sc_dots(wi_hbm, wo_hbm, oit_hbm, nit_hbm, iit_hbm, out_hbm,
                iidx_v, ivec_v, oidx_v, nidx_v, rows_v, dots_v,
                sem_a, sem_b, sem_i):
        wid = lax.axis_index("s") * nc + lax.axis_index("c")
        base = wid * bpw
        pltpu.sync_copy(iit_hbm.at[pl.ds(base, bpw)], iidx_v)
        pltpu.async_copy(wi_hbm.at[iidx_v], ivec_v, sem_i).wait()
        pltpu.sync_copy(oit_hbm.at[pl.ds(base, bpw), :], oidx_v)
        pltpu.sync_copy(nit_hbm.at[pl.ds(base, bpw), :], nidx_v)

        def fire(bb, buf, sem):
            pltpu.async_copy(
                wo_hbm.at[oidx_v.at[bb, :]], rows_v.at[buf, pl.ds(0, ko)], sem)
            pltpu.async_copy(
                wo_hbm.at[nidx_v.at[bb, :]], rows_v.at[buf, pl.ds(ko, kn)], sem)

        def drain(bb, buf, sem):
            pltpu.make_async_copy(
                wo_hbm.at[oidx_v.at[bb, :]], rows_v.at[buf, pl.ds(0, ko)], sem).wait()
            pltpu.make_async_copy(
                wo_hbm.at[nidx_v.at[bb, :]], rows_v.at[buf, pl.ds(ko, kn)], sem).wait()

        fire(0, 0, sem_a)

        _LANE = lax.iota(jnp.int32, 16)
        _PRM = [(jnp.full((16,), 32 * t, jnp.int32) + 2 * _LANE + p)
                for t in range(nt // 2) for p in (0, 1)]

        def compute(bb, buf):
            bbv = jnp.full((16,), bb, jnp.int32)
            iv = [plsc.load_gather(ivec_v, [bbv, pidx]) for pidx in _PRM]

            @pl.loop(0, k // 16)
            def _grp(g):
                r0 = g * 16
                dvec = jnp.zeros((16,), jnp.float32)
                for j in range(16):
                    acc = None
                    for t in range(nt // 2):
                        v = rows_v[buf, r0 + j, pl.ds(32 * t, 32)]
                        e, o = plsc.unpack(v, format=plsc.PackFormat.INTERLEAVED)
                        term = e * iv[2 * t] + o * iv[2 * t + 1]
                        acc = term if acc is None else acc + term
                    dvec = jnp.where(_LANE == j, jnp.sum(acc), dvec)
                dots_v[pl.ds(r0, 16)] = dvec

            pltpu.sync_copy(dots_v, out_hbm.at[base + bb])

        @pl.loop(0, bpw // 2)
        def _pair(q):
            b0 = 2 * q
            fire(b0 + 1, 1, sem_b)
            drain(b0, 0, sem_a)
            compute(b0, 0)

            @pl.when(b0 + 2 < bpw)
            def _():
                fire(b0 + 2, 0, sem_a)

            drain(b0 + 1, 1, sem_b)
            compute(b0 + 1, 1)

    return sc_dots


def _make_reduce(b, k, bs, c, k_real, interpret=False):
    grid = (b // bs,)

    def red(dots_ref, out_ref, acc_ref):
        x = dots_ref[...]
        col = lax.broadcasted_iota(jnp.int32, (bs, k), 1)
        z = jnp.where(col < c, x, -x)
        l = jnp.log(jax.nn.sigmoid(z))
        l = jnp.where(col < k_real, l, 0.0)

        @pl.when(pl.program_id(0) == 0)
        def _():
            acc_ref[0] = 0.0

        acc_ref[0] = acc_ref[0] + jnp.sum(l)

        @pl.when(pl.program_id(0) == grid[0] - 1)
        def _():
            out_ref[0] = -acc_ref[0] / b

    return pl.pallas_call(
        red,
        grid=grid,
        in_specs=[pl.BlockSpec((bs, k), lambda i: (i, 0))],
        out_specs=pl.BlockSpec(memory_space=pltpu.SMEM),
        out_shape=jax.ShapeDtypeStruct((1,), jnp.float32),
        scratch_shapes=[pltpu.SMEM((1,), jnp.float32)],
        interpret=interpret,
    )


_sc_dots = None
_reduce = None


def kernel(iitem, oitems, nitems, W_i, W_o):
    global _sc_dots, _reduce
    if _sc_dots is None:
        _sc_dots = _make_sc_dots(B, D, K, BPW, CHUNKS)
        _reduce = _make_reduce(B, K, RED_BS, C, K_REAL)
    if oitems.dtype != jnp.int32:
        iitem = iitem.astype(jnp.int32)
        oitems = oitems.astype(jnp.int32)
        nitems = nitems.astype(jnp.int32)
    dots = _sc_dots(W_i, W_o.astype(jnp.bfloat16), oitems, nitems, iitem)
    return _reduce(dots)[0]

# --- scband reference (transcript-rebuilt; emitter-appended) ---
"""Pipeline reference for scband-sgns-16320875724820 (READ-ONLY COPY).

The authoritative reference and input builder live on the scoring server;
editing this copy changes nothing except your own understanding.
"""

import jax, jax.numpy as jnp
import numpy as np

B = 4096
C = 20
V = 100000
D = 64
N_NEGS = 20

def setup_inputs(seed: int = 0) -> dict:
    key = jax.random.key(seed)
    k1, k2, k3, k4, k5 = jax.random.split(key, 5)
    iitem = jax.random.randint(k1, (B,), 0, V, dtype=jnp.int64) if jax.config.jax_enable_x64 else jax.random.randint(k1, (B,), 0, V).astype(jnp.int32)
    oitems = jax.random.randint(k2, (B, C), 0, V).astype(iitem.dtype)
    # negative samples: torch module draws these uniformly inside forward (weights=None path);
    # we materialize them here for determinism
    nitems = jax.random.randint(k3, (B, C * N_NEGS), 0, V).astype(iitem.dtype)
    # learned parameters of the wrapped embedding module (forward_i / forward_o tables)
    W_i = jax.random.normal(k4, (V, D), dtype=jnp.float32) * 0.01
    W_o = jax.random.normal(k5, (V, D), dtype=jnp.float32) * 0.01
    return {"iitem": iitem, "oitems": oitems, "nitems": nitems, "W_i": W_i, "W_o": W_o}

def reference(iitem, oitems, nitems, W_i, W_o):
    batch_size = iitem.shape[0]
    context_size = oitems.shape[1]
    # ivectors = embedding.forward_i(iitem).unsqueeze(2) -> [B, D, 1]
    ivectors = jnp.take(W_i, iitem, axis=0)[:, :, None]
    # ovectors = embedding.forward_o(oitems) -> [B, C, D]
    ovectors = jnp.take(W_o, oitems, axis=0)
    # nvectors = embedding.forward_o(nitems).neg() -> [B, C*n_negs, D]
    nvectors = -jnp.take(W_o, nitems, axis=0)
    # oloss = bmm(ovectors, ivectors).squeeze(-1).sigmoid().log() -> [B, C]
    oloss = jnp.log(jax.nn.sigmoid(jnp.matmul(ovectors, ivectors)[..., 0]))
    # nloss -> [B, C*n_negs] -> view(-1, C, n_negs).sum(2) -> [B, C]
    nloss = jnp.log(jax.nn.sigmoid(jnp.matmul(nvectors, ivectors)[..., 0]))
    nloss = nloss.reshape(-1, context_size, N_NEGS).sum(axis=2)
    loss = (oloss + nloss).sum(axis=1).mean()
    return -loss

if __name__ == "__main__":
    import jax
    _d = setup_inputs()
    print(jax.jit(kernel)(*tuple(_d.values())))

</pallas_src>

<mosaic_0001>
#map = affine_map<(d0, d1) -> (0, 0)>
#map1 = affine_map<(d0, d1) -> (0)>
module attributes {stable_mosaic.version = 14 : i64} {
  func.func @sc_dots(%arg0: i32, %arg1: i32, %arg2: memref<100000x64xf32, #tpu.memory_space<hbm>>, %arg3: memref<100000x64xbf16, #tpu.memory_space<hbm>>, %arg4: memref<4096x20xi32, #tpu.memory_space<hbm>>, %arg5: memref<4096x400xi32, #tpu.memory_space<hbm>>, %arg6: memref<4096xi32, #tpu.memory_space<hbm>>, %arg7: memref<4096x432xf32, #tpu.memory_space<hbm>>, %arg8: memref<128xi32, #tpu.memory_space<vmem>>, %arg9: memref<128x64xf32, #tpu.memory_space<vmem>>, %arg10: memref<128x20xi32, #tpu.memory_space<vmem>>, %arg11: memref<128x400xi32, #tpu.memory_space<vmem>>, %arg12: memref<2x432x64xbf16, #tpu.memory_space<vmem>>, %arg13: memref<432xf32, #tpu.memory_space<vmem>>, %arg14: memref<!tpu.dma_semaphore, #tpu.memory_space<semaphore_mem>>, %arg15: memref<!tpu.dma_semaphore, #tpu.memory_space<semaphore_mem>>, %arg16: memref<!tpu.dma_semaphore, #tpu.memory_space<semaphore_mem>>) attributes {dimension_semantics = [#tpu.dimension_semantics<core_parallel>, #tpu.dimension_semantics<subcore_parallel>], iteration_bounds = array<i64: 2, 16>, scalar_prefetch = 0 : i64, scratch_operands = 9 : i64, tpu.core_type = #tpu.core_type<sc_vector_subcore>, window_params = [{transform_indices = #map}, {transform_indices = #map}, {transform_indices = #map}, {transform_indices = #map}, {transform_indices = #map1}, {transform_indices = #map}]} {
    %mul3A = arith.constant 2 : i32
    %mul3A_0 = arith.muli %arg1, %mul3A : i32
    %add3A = arith.addi %mul3A_0, %arg0 : i32
    %mul3A_1 = arith.constant 128 : i32
    %mul3A_2 = arith.muli %add3A, %mul3A_1 : i32
    "tpu.region"() ({
      %run_scoped3A = tpu.sem_alloc : memref<!tpu.dma_semaphore, #tpu.memory_space<semaphore_mem>>
      %dma_start3A_70 = tpu.memref_slice %arg6[%mul3A_2] : memref<4096xi32, #tpu.memory_space<hbm>> -> memref<128xi32, #tpu.memory_space<hbm>>
      %dma_start3A_71 = tpu.memref_slice %arg6[%mul3A_2] : memref<4096xi32, #tpu.memory_space<hbm>> -> memref<128xi32, #tpu.memory_space<hbm>>
      tpu.enqueue_dma source(%dma_start3A_71 : memref<128xi32, #tpu.memory_space<hbm>>) target(%arg8 : memref<128xi32, #tpu.memory_space<vmem>>) target_semaphore(%run_scoped3A : memref<!tpu.dma_semaphore, #tpu.memory_space<semaphore_mem>>)
      %dma_wait3A_72 = tpu.memref_slice %arg6[%mul3A_2] : memref<4096xi32, #tpu.memory_space<hbm>> -> memref<128xi32, #tpu.memory_space<hbm>>
      %dma_wait3A_73 = tpu.memref_slice %arg6[%mul3A_2] : memref<4096xi32, #tpu.memory_space<hbm>> -> memref<128xi32, #tpu.memory_space<hbm>>
      tpu.wait_dma2 semaphore(%run_scoped3A : memref<!tpu.dma_semaphore, #tpu.memory_space<semaphore_mem>>) src(%dma_wait3A_73 : memref<128xi32, #tpu.memory_space<hbm>>) dst(%arg8 : memref<128xi32, #tpu.memory_space<vmem>>)
      tpu.yield
    }) : () -> ()
    %dma_start3A = arith.constant 0 : i32
    %dma_start3A_3 = arith.constant 0 : i32
    %dma_start3A_4 = tpu.memref_slice %arg2[%dma_start3A, %dma_start3A_3] : memref<100000x64xf32, #tpu.memory_space<hbm>> -> memref<100000x64xf32, #tpu.memory_space<hbm>>
    tpu.enqueue_indirect_dma source(%dma_start3A_4 : memref<100000x64xf32, #tpu.memory_space<hbm>>) target(%arg9 : memref<128x64xf32, #tpu.memory_space<vmem>>) offsets(%arg8 : memref<128xi32, #tpu.memory_space<vmem>>) semaphore(%arg16 : memref<!tpu.dma_semaphore, #tpu.memory_space<semaphore_mem>>)
    %dma_wait3A = arith.constant 0 : i32
    %dma_wait3A_5 = arith.constant 0 : i32
    %dma_wait3A_6 = tpu.memref_slice %arg2[%dma_wait3A, %dma_wait3A_5] : memref<100000x64xf32, #tpu.memory_space<hbm>> -> memref<100000x64xf32, #tpu.memory_space<hbm>>
    tpu.wait_indirect_dma semaphore(%arg16 : memref<!tpu.dma_semaphore, #tpu.memory_space<semaphore_mem>>) src(%dma_wait3A_6 : memref<100000x64xf32, #tpu.memory_space<hbm>>) dst(%arg9 : memref<128x64xf32, #tpu.memory_space<vmem>>)
    "tpu.region"() ({
      %run_scoped3A = tpu.sem_alloc : memref<!tpu.dma_semaphore, #tpu.memory_space<semaphore_mem>>
      %dma_start3A_70 = arith.constant 0 : i32
      %dma_start3A_71 = tpu.memref_slice %arg4[%mul3A_2, %dma_start3A_70] : memref<4096x20xi32, #tpu.memory_space<hbm>> -> memref<128x20xi32, #tpu.memory_space<hbm>>
      %dma_start3A_72 = arith.constant 0 : i32
      %dma_start3A_73 = tpu.memref_slice %arg4[%mul3A_2, %dma_start3A_72] : memref<4096x20xi32, #tpu.memory_space<hbm>> -> memref<128x20xi32, #tpu.memory_space<hbm>>
      tpu.enqueue_dma source(%dma_start3A_73 : memref<128x20xi32, #tpu.memory_space<hbm>>) target(%arg10 : memref<128x20xi32, #tpu.memory_space<vmem>>) target_semaphore(%run_scoped3A : memref<!tpu.dma_semaphore, #tpu.memory_space<semaphore_mem>>)
      %dma_wait3A_74 = arith.constant 0 : i32
      %dma_wait3A_75 = tpu.memref_slice %arg4[%mul3A_2, %dma_wait3A_74] : memref<4096x20xi32, #tpu.memory_space<hbm>> -> memref<128x20xi32, #tpu.memory_space<hbm>>
      %dma_wait3A_76 = arith.constant 0 : i32
      %dma_wait3A_77 = tpu.memref_slice %arg4[%mul3A_2, %dma_wait3A_76] : memref<4096x20xi32, #tpu.memory_space<hbm>> -> memref<128x20xi32, #tpu.memory_space<hbm>>
      tpu.wait_dma2 semaphore(%run_scoped3A : memref<!tpu.dma_semaphore, #tpu.memory_space<semaphore_mem>>) src(%dma_wait3A_77 : memref<128x20xi32, #tpu.memory_space<hbm>>) dst(%arg10 : memref<128x20xi32, #tpu.memory_space<vmem>>)
      tpu.yield
    }) : () -> ()
    "tpu.region"() ({
      %run_scoped3A = tpu.sem_alloc : memref<!tpu.dma_semaphore, #tpu.memory_space<semaphore_mem>>
      %dma_start3A_70 = arith.constant 0 : i32
      %dma_start3A_71 = tpu.memref_slice %arg5[%mul3A_2, %dma_start3A_70] : memref<4096x400xi32, #tpu.memory_space<hbm>> -> memref<128x400xi32, #tpu.memory_space<hbm>>
      %dma_start3A_72 = arith.constant 0 : i32
      %dma_start3A_73 = tpu.memref_slice %arg5[%mul3A_2, %dma_start3A_72] : memref<4096x400xi32, #tpu.memory_space<hbm>> -> memref<128x400xi32, #tpu.memory_space<hbm>>
      tpu.enqueue_dma source(%dma_start3A_73 : memref<128x400xi32, #tpu.memory_space<hbm>>) target(%arg11 : memref<128x400xi32, #tpu.memory_space<vmem>>) target_semaphore(%run_scoped3A : memref<!tpu.dma_semaphore, #tpu.memory_space<semaphore_mem>>)
      %dma_wait3A_74 = arith.constant 0 : i32
      %dma_wait3A_75 = tpu.memref_slice %arg5[%mul3A_2, %dma_wait3A_74] : memref<4096x400xi32, #tpu.memory_space<hbm>> -> memref<128x400xi32, #tpu.memory_space<hbm>>
      %dma_wait3A_76 = arith.constant 0 : i32
      %dma_wait3A_77 = tpu.memref_slice %arg5[%mul3A_2, %dma_wait3A_76] : memref<4096x400xi32, #tpu.memory_space<hbm>> -> memref<128x400xi32, #tpu.memory_space<hbm>>
      tpu.wait_dma2 semaphore(%run_scoped3A : memref<!tpu.dma_semaphore, #tpu.memory_space<semaphore_mem>>) src(%dma_wait3A_77 : memref<128x400xi32, #tpu.memory_space<hbm>>) dst(%arg11 : memref<128x400xi32, #tpu.memory_space<vmem>>)
      tpu.yield
    }) : () -> ()
    %dma_start3A_7 = arith.constant 0 : i32
    %dma_start3A_8 = arith.constant 0 : i32
    %dma_start3A_9 = arith.constant 0 : i32
    %dma_start3A_10 = arith.constant 0 : i32
    %dma_start3A_11 = tpu.memref_slice %arg12[%dma_start3A_8, %dma_start3A_9, %dma_start3A_10] : memref<2x432x64xbf16, #tpu.memory_space<vmem>> -> memref<1x20x64xbf16, #tpu.memory_space<vmem>>
    %dma_start3A_12 = tpu.memref_squeeze %dma_start3A_11 : memref<1x20x64xbf16, #tpu.memory_space<vmem>> -> memref<20x64xbf16, #tpu.memory_space<vmem>>
    %dma_start3A_13 = arith.constant 0 : i32
    %dma_start3A_14 = tpu.memref_slice %arg10[%dma_start3A_7, %dma_start3A_13] : memref<128x20xi32, #tpu.memory_space<vmem>> -> memref<1x20xi32, #tpu.memory_space<vmem>>
    %dma_start3A_15 = tpu.memref_squeeze %dma_start3A_14 : memref<1x20xi32, #tpu.memory_space<vmem>> -> memref<20xi32, #tpu.memory_space<vmem>>
    %dma_start3A_16 = arith.constant 0 : i32
    %dma_start3A_17 = arith.constant 0 : i32
    %dma_start3A_18 = tpu.memref_slice %arg3[%dma_start3A_16, %dma_start3A_17] : memref<100000x64xbf16, #tpu.memory_space<hbm>> -> memref<100000x64xbf16, #tpu.memory_space<hbm>>
    tpu.enqueue_indirect_dma source(%dma_start3A_18 : memref<100000x64xbf16, #tpu.memory_space<hbm>>) target(%dma_start3A_12 : memref<20x64xbf16, #tpu.memory_space<vmem>>) offsets(%dma_start3A_15 : memref<20xi32, #tpu.memory_space<vmem>>) semaphore(%arg14 : memref<!tpu.dma_semaphore, #tpu.memory_space<semaphore_mem>>)
    %dma_start3A_19 = arith.constant 0 : i32
    %dma_start3A_20 = arith.constant 0 : i32
    %dma_start3A_21 = arith.constant 20 : i32
    %dma_start3A_22 = arith.constant 0 : i32
    %dma_start3A_23 = tpu.memref_slice %arg12[%dma_start3A_20, %dma_start3A_21, %dma_start3A_22] : memref<2x432x64xbf16, #tpu.memory_space<vmem>> -> memref<1x400x64xbf16, #tpu.memory_space<vmem>>
    %dma_start3A_24 = tpu.memref_squeeze %dma_start3A_23 : memref<1x400x64xbf16, #tpu.memory_space<vmem>> -> memref<400x64xbf16, #tpu.memory_space<vmem>>
    %dma_start3A_25 = arith.constant 0 : i32
    %dma_start3A_26 = tpu.memref_slice %arg11[%dma_start3A_19, %dma_start3A_25] : memref<128x400xi32, #tpu.memory_space<vmem>> -> memref<1x400xi32, #tpu.memory_space<vmem>>
    %dma_start3A_27 = tpu.memref_squeeze %dma_start3A_26 : memref<1x400xi32, #tpu.memory_space<vmem>> -> memref<400xi32, #tpu.memory_space<vmem>>
    %dma_start3A_28 = arith.constant 0 : i32
    %dma_start3A_29 = arith.constant 0 : i32
    %dma_start3A_30 = tpu.memref_slice %arg3[%dma_start3A_28, %dma_start3A_29] : memref<100000x64xbf16, #tpu.memory_space<hbm>> -> memref<100000x64xbf16, #tpu.memory_space<hbm>>
    tpu.enqueue_indirect_dma source(%dma_start3A_30 : memref<100000x64xbf16, #tpu.memory_space<hbm>>) target(%dma_start3A_24 : memref<400x64xbf16, #tpu.memory_space<vmem>>) offsets(%dma_start3A_27 : memref<400xi32, #tpu.memory_space<vmem>>) semaphore(%arg14 : memref<!tpu.dma_semaphore, #tpu.memory_space<semaphore_mem>>)
    %iota3A = tpu.iota {dimensions = array<i32: 0>} : vector<16xi32>
    %broadcast_in_dim3A = arith.constant 0 : i32
    %broadcast_in_dim3A_31 = vector.broadcast %broadcast_in_dim3A : i32 to vector<16xi32>
    %mul3A_32 = arith.constant 2 : i32
    %mul3A_33 = vector.broadcast %mul3A_32 : i32 to vector<16xi32>
    %mul3A_34 = arith.muli %mul3A_33, %iota3A : vector<16xi32>
    %add3A_35 = arith.addi %broadcast_in_dim3A_31, %mul3A_34 : vector<16xi32>
    %add3A_36 = arith.constant 0 : i32
    %add3A_37 = vector.broadcast %add3A_36 : i32 to vector<16xi32>
    %add3A_38 = arith.addi %add3A_35, %add3A_37 : vector<16xi32>
    %broadcast_in_dim3A_39 = arith.constant 0 : i32
    %broadcast_in_dim3A_40 = vector.broadcast %broadcast_in_dim3A_39 : i32 to vector<16xi32>
    %mul3A_41 = arith.constant 2 : i32
    %mul3A_42 = vector.broadcast %mul3A_41 : i32 to vector<16xi32>
    %mul3A_43 = arith.muli %mul3A_42, %iota3A : vector<16xi32>
    %add3A_44 = arith.addi %broadcast_in_dim3A_40, %mul3A_43 : vector<16xi32>
    %add3A_45 = arith.constant 1 : i32
    %add3A_46 = vector.broadcast %add3A_45 : i32 to vector<16xi32>
    %add3A_47 = arith.addi %add3A_44, %add3A_46 : vector<16xi32>
    %broadcast_in_dim3A_48 = arith.constant 32 : i32
    %broadcast_in_dim3A_49 = vector.broadcast %broadcast_in_dim3A_48 : i32 to vector<16xi32>
    %mul3A_50 = arith.constant 2 : i32
    %mul3A_51 = vector.broadcast %mul3A_50 : i32 to vector<16xi32>
    %mul3A_52 = arith.muli %mul3A_51, %iota3A : vector<16xi32>
    %add3A_53 = arith.addi %broadcast_in_dim3A_49, %mul3A_52 : vector<16xi32>
    %add3A_54 = arith.constant 0 : i32
    %add3A_55 = vector.broadcast %add3A_54 : i32 to vector<16xi32>
    %add3A_56 = arith.addi %add3A_53, %add3A_55 : vector<16xi32>
    %broadcast_in_dim3A_57 = arith.constant 32 : i32
    %broadcast_in_dim3A_58 = vector.broadcast %broadcast_in_dim3A_57 : i32 to vector<16xi32>
    %mul3A_59 = arith.constant 2 : i32
    %mul3A_60 = vector.broadcast %mul3A_59 : i32 to vector<16xi32>
    %mul3A_61 = arith.muli %mul3A_60, %iota3A : vector<16xi32>
    %add3A_62 = arith.addi %broadcast_in_dim3A_58, %mul3A_61 : vector<16xi32>
    %add3A_63 = arith.constant 1 : i32
    %add3A_64 = vector.broadcast %add3A_63 : i32 to vector<16xi32>
    %add3A_65 = arith.addi %add3A_62, %add3A_64 : vector<16xi32>
    %scan3A = arith.constant 0 : i32
    %scan3A_66 = arith.constant 64 : i32
    %scan3A_67 = arith.addi %scan3A, %scan3A_66 : i32
    %scan3A_68 = arith.constant 1 : i32
    scf.for %scan3A_70 = %scan3A to %scan3A_67 step %scan3A_68  : i32 {
      %mul3A_71 = arith.constant 1 : i32
      %mul3A_72 = arith.muli %scan3A_70, %mul3A_71 : i32
      %add3A_73 = arith.constant 0 : i32
      %add3A_74 = arith.addi %add3A_73, %mul3A_72 : i32
      %mul3A_75 = arith.constant 2 : i32
      %mul3A_76 = arith.muli %mul3A_75, %add3A_74 : i32
      %add3A_77 = arith.constant 1 : i32
      %add3A_78 = arith.addi %mul3A_76, %add3A_77 : i32
      %dma_start3A_79 = arith.constant 1 : i32
      %dma_start3A_80 = arith.constant 0 : i32
      %dma_start3A_81 = arith.constant 0 : i32
      %dma_start3A_82 = tpu.memref_slice %arg12[%dma_start3A_79, %dma_start3A_80, %dma_start3A_81] : memref<2x432x64xbf16, #tpu.memory_space<vmem>> -> memref<1x20x64xbf16, #tpu.memory_space<vmem>>
      %dma_start3A_83 = tpu.memref_squeeze %dma_start3A_82 : memref<1x20x64xbf16, #tpu.memory_space<vmem>> -> memref<20x64xbf16, #tpu.memory_space<vmem>>
      %dma_start3A_84 = arith.constant 0 : i32
      %dma_start3A_85 = tpu.memref_slice %arg10[%add3A_78, %dma_start3A_84] : memref<128x20xi32, #tpu.memory_space<vmem>> -> memref<1x20xi32, #tpu.memory_space<vmem>>
      %dma_start3A_86 = tpu.memref_squeeze %dma_start3A_85 : memref<1x20xi32, #tpu.memory_space<vmem>> -> memref<20xi32, #tpu.memory_space<vmem>>
      %dma_start3A_87 = arith.constant 0 : i32
      %dma_start3A_88 = arith.constant 0 : i32
      %dma_start3A_89 = tpu.memref_slice %arg3[%dma_start3A_87, %dma_start3A_88] : memref<100000x64xbf16, #tpu.memory_space<hbm>> -> memref<100000x64xbf16, #tpu.memory_space<hbm>>
      tpu.enqueue_indirect_dma source(%dma_start3A_89 : memref<100000x64xbf16, #tpu.memory_space<hbm>>) target(%dma_start3A_83 : memref<20x64xbf16, #tpu.memory_space<vmem>>) offsets(%dma_start3A_86 : memref<20xi32, #tpu.memory_space<vmem>>) semaphore(%arg15 : memref<!tpu.dma_semaphore, #tpu.memory_space<semaphore_mem>>)
      %dma_start3A_90 = arith.constant 1 : i32
      %dma_start3A_91 = arith.constant 20 : i32
      %dma_start3A_92 = arith.constant 0 : i32
      %dma_start3A_93 = tpu.memref_slice %arg12[%dma_start3A_90, %dma_start3A_91, %dma_start3A_92] : memref<2x432x64xbf16, #tpu.memory_space<vmem>> -> memref<1x400x64xbf16, #tpu.memory_space<vmem>>
      %dma_start3A_94 = tpu.memref_squeeze %dma_start3A_93 : memref<1x400x64xbf16, #tpu.memory_space<vmem>> -> memref<400x64xbf16, #tpu.memory_space<vmem>>
      %dma_start3A_95 = arith.constant 0 : i32
      %dma_start3A_96 = tpu.memref_slice %arg11[%add3A_78, %dma_start3A_95] : memref<128x400xi32, #tpu.memory_space<vmem>> -> memref<1x400xi32, #tpu.memory_space<vmem>>
      %dma_start3A_97 = tpu.memref_squeeze %dma_start3A_96 : memref<1x400xi32, #tpu.memory_space<vmem>> -> memref<400xi32, #tpu.memory_space<vmem>>
      %dma_start3A_98 = arith.constant 0 : i32
      %dma_start3A_99 = arith.constant 0 : i32
      %dma_start3A_100 = tpu.memref_slice %arg3[%dma_start3A_98, %dma_start3A_99] : memref<100000x64xbf16, #tpu.memory_space<hbm>> -> memref<100000x64xbf16, #tpu.memory_space<hbm>>
      tpu.enqueue_indirect_dma source(%dma_start3A_100 : memref<100000x64xbf16, #tpu.memory_space<hbm>>) target(%dma_start3A_94 : memref<400x64xbf16, #tpu.memory_space<vmem>>) offsets(%dma_start3A_97 : memref<400xi32, #tpu.memory_space<vmem>>) semaphore(%arg15 : memref<!tpu.dma_semaphore, #tpu.memory_space<semaphore_mem>>)
      %dma_wait3A_101 = arith.constant 0 : i32
      %dma_wait3A_102 = arith.constant 0 : i32
      %dma_wait3A_103 = arith.constant 0 : i32
      %dma_wait3A_104 = tpu.memref_slice %arg12[%dma_wait3A_101, %dma_wait3A_102, %dma_wait3A_103] : memref<2x432x64xbf16, #tpu.memory_space<vmem>> -> memref<1x20x64xbf16, #tpu.memory_space<vmem>>
      %dma_wait3A_105 = tpu.memref_squeeze %dma_wait3A_104 : memref<1x20x64xbf16, #tpu.memory_space<vmem>> -> memref<20x64xbf16, #tpu.memory_space<vmem>>
      %dma_wait3A_106 = arith.constant 0 : i32
      %dma_wait3A_107 = tpu.memref_slice %arg10[%mul3A_76, %dma_wait3A_106] : memref<128x20xi32, #tpu.memory_space<vmem>> -> memref<1x20xi32, #tpu.memory_space<vmem>>
      %dma_wait3A_108 = tpu.memref_squeeze %dma_wait3A_107 : memref<1x20xi32, #tpu.memory_space<vmem>> -> memref<20xi32, #tpu.memory_space<vmem>>
      %dma_wait3A_109 = arith.constant 0 : i32
      %dma_wait3A_110 = arith.constant 0 : i32
      %dma_wait3A_111 = tpu.memref_slice %arg3[%dma_wait3A_109, %dma_wait3A_110] : memref<100000x64xbf16, #tpu.memory_space<hbm>> -> memref<100000x64xbf16, #tpu.memory_space<hbm>>
      tpu.wait_indirect_dma semaphore(%arg14 : memref<!tpu.dma_semaphore, #tpu.memory_space<semaphore_mem>>) src(%dma_wait3A_111 : memref<100000x64xbf16, #tpu.memory_space<hbm>>) dst(%dma_wait3A_105 : memref<20x64xbf16, #tpu.memory_space<vmem>>)
      %dma_wait3A_112 = arith.constant 0 : i32
      %dma_wait3A_113 = arith.constant 20 : i32
      %dma_wait3A_114 = arith.constant 0 : i32
      %dma_wait3A_115 = tpu.memref_slice %arg12[%dma_wait3A_112, %dma_wait3A_113, %dma_wait3A_114] : memref<2x432x64xbf16, #tpu.memory_space<vmem>> -> memref<1x400x64xbf16, #tpu.memory_space<vmem>>
      %dma_wait3A_116 = tpu.memref_squeeze %dma_wait3A_115 : memref<1x400x64xbf16, #tpu.memory_space<vmem>> -> memref<400x64xbf16, #tpu.memory_space<vmem>>
      %dma_wait3A_117 = arith.constant 0 : i32
      %dma_wait3A_118 = tpu.memref_slice %arg11[%mul3A_76, %dma_wait3A_117] : memref<128x400xi32, #tpu.memory_space<vmem>> -> memref<1x400xi32, #tpu.memory_space<vmem>>
      %dma_wait3A_119 = tpu.memref_squeeze %dma_wait3A_118 : memref<1x400xi32, #tpu.memory_space<vmem>> -> memref<400xi32, #tpu.memory_space<vmem>>
      %dma_wait3A_120 = arith.constant 0 : i32
      %dma_wait3A_121 = arith.constant 0 : i32
      %dma_wait3A_122 = tpu.memref_slice %arg3[%dma_wait3A_120, %dma_wait3A_121] : memref<100000x64xbf16, #tpu.memory_space<hbm>> -> memref<100000x64xbf16, #tpu.memory_space<hbm>>
      tpu.wait_indirect_dma semaphore(%arg14 : memref<!tpu.dma_semaphore, #tpu.memory_space<semaphore_mem>>) src(%dma_wait3A_122 : memref<100000x64xbf16, #tpu.memory_space<hbm>>) dst(%dma_wait3A_116 : memref<400x64xbf16, #tpu.memory_space<vmem>>)
      %broadcast_in_dim3A_123 = vector.broadcast %mul3A_76 : i32 to vector<16xi32>
      %gather3A = tpu.vector_load_idx %arg9[%broadcast_in_dim3A_123, %add3A_38] : memref<128x64xf32, #tpu.memory_space<vmem>>[vector<16xi32>, vector<16xi32>], vector<16xf32>,
      %gather3A_124 = tpu.vector_load_idx %arg9[%broadcast_in_dim3A_123, %add3A_47] : memref<128x64xf32, #tpu.memory_space<vmem>>[vector<16xi32>, vector<16xi32>], vector<16xf32>,
      %gather3A_125 = tpu.vector_load_idx %arg9[%broadcast_in_dim3A_123, %add3A_56] : memref<128x64xf32, #tpu.memory_space<vmem>>[vector<16xi32>, vector<16xi32>], vector<16xf32>,
      %gather3A_126 = tpu.vector_load_idx %arg9[%broadcast_in_dim3A_123, %add3A_65] : memref<128x64xf32, #tpu.memory_space<vmem>>[vector<16xi32>, vector<16xi32>], vector<16xf32>,
      %scan3A_127 = arith.constant 0 : i32
      %scan3A_128 = arith.constant 27 : i32
      %scan3A_129 = arith.addi %scan3A_127, %scan3A_128 : i32
      %scan3A_130 = arith.constant 1 : i32
      scf.for %scan3A_174 = %scan3A_127 to %scan3A_129 step %scan3A_130  : i32 {
        %mul3A_175 = arith.constant 1 : i32
        %mul3A_176 = arith.muli %scan3A_174, %mul3A_175 : i32
        %add3A_177 = arith.constant 0 : i32
        %add3A_178 = arith.addi %add3A_177, %mul3A_176 : i32
        %mul3A_179 = arith.constant 16 : i32
        %mul3A_180 = arith.muli %add3A_178, %mul3A_179 : i32
        %broadcast_in_dim3A_181 = arith.constant 0.000000e+00 : f32
        %broadcast_in_dim3A_182 = vector.broadcast %broadcast_in_dim3A_181 : f32 to vector<16xf32>
        %add3A_183 = arith.constant 0 : i32
        %add3A_184 = arith.addi %mul3A_180, %add3A_183 : i32
        %get3A = arith.constant 0 : i32
        %get3A_185 = arith.index_cast %get3A : i32 to index
        %get3A_186 = arith.index_cast %add3A_184 : i32 to index
        %get3A_187 = arith.constant 0 : index
        %get3A_188 = tpu.vector_load %arg12[%get3A_185, %get3A_186, %get3A_187] {strides = array<i32>} : memref<2x432x64xbf16, #tpu.memory_space<vmem>>, vector<32xbf16>,
        %unpack3A = tpu.unpack_subelements %get3A_188, 0 {pack_format = #tpu.pack_format<interleaved>} : vector<32xbf16> -> vector<16xf32>
        %unpack3A_189 = tpu.unpack_subelements %get3A_188, 1 {pack_format = #tpu.pack_format<interleaved>} : vector<32xbf16> -> vector<16xf32>
        %mul3A_190 = arith.mulf %unpack3A, %gather3A : vector<16xf32>
        %mul3A_191 = arith.mulf %unpack3A_189, %gather3A_124 : vector<16xf32>
        %add3A_192 = arith.addf %mul3A_190, %mul3A_191 : vector<16xf32>
        %add3A_193 = arith.constant 0 : i32
        %add3A_194 = arith.addi %mul3A_180, %add3A_193 : i32
        %get3A_195 = arith.constant 0 : i32
        %get3A_196 = arith.index_cast %get3A_195 : i32 to index
        %get3A_197 = arith.index_cast %add3A_194 : i32 to index
        %get3A_198 = arith.constant 32 : index
        %get3A_199 = tpu.vector_load %arg12[%get3A_196, %get3A_197, %get3A_198] {strides = array<i32>} : memref<2x432x64xbf16, #tpu.memory_space<vmem>>, vector<32xbf16>,
        %unpack3A_200 = tpu.unpack_subelements %get3A_199, 0 {pack_format = #tpu.pack_format<interleaved>} : vector<32xbf16> -> vector<16xf32>
        %unpack3A_201 = tpu.unpack_subelements %get3A_199, 1 {pack_format = #tpu.pack_format<interleaved>} : vector<32xbf16> -> vector<16xf32>
        %mul3A_202 = arith.mulf %unpack3A_200, %gather3A_125 : vector<16xf32>
        %mul3A_203 = arith.mulf %unpack3A_201, %gather3A_126 : vector<16xf32>
        %add3A_204 = arith.addf %mul3A_202, %mul3A_203 : vector<16xf32>
        %add3A_205 = arith.addf %add3A_192, %add3A_204 : vector<16xf32>
        %eq3A = arith.constant 0 : i32
        %eq3A_206 = vector.broadcast %eq3A : i32 to vector<16xi32>
        %eq3A_207 = arith.cmpi eq, %iota3A, %eq3A_206 : vector<16xi32>
        %reduce_sum3A = arith.constant true
        %reduce_sum3A_208 = vector.broadcast %reduce_sum3A : i1 to vector<16xi1>
        %reduce_sum3A_209 = tpu.scan <sum>, %add3A_205 masked %reduce_sum3A_208 : vector<16xf32>, vector<16xi1> -> vector<16xf32>
        %reduce_sum3A_210 = vector.extract %reduce_sum3A_209[15] : f32 from vector<16xf32>
        %broadcast_in_dim3A_211 = vector.broadcast %reduce_sum3A_210 : f32 to vector<16xf32>
        %select_n3A = arith.select %eq3A_207, %broadcast_in_dim3A_211, %broadcast_in_dim3A_182 : vector<16xi1>, vector<16xf32>
        %add3A_212 = arith.constant 1 : i32
        %add3A_213 = arith.addi %mul3A_180, %add3A_212 : i32
        %get3A_214 = arith.constant 0 : i32
        %get3A_215 = arith.index_cast %get3A_214 : i32 to index
        %get3A_216 = arith.index_cast %add3A_213 : i32 to index
        %get3A_217 = arith.constant 0 : index
        %get3A_218 = tpu.vector_load %arg12[%get3A_215, %get3A_216, %get3A_217] {strides = array<i32>} : memref<2x432x64xbf16, #tpu.memory_space<vmem>>, vector<32xbf16>,
        %unpack3A_219 = tpu.unpack_subelements %get3A_218, 0 {pack_format = #tpu.pack_format<interleaved>} : vector<32xbf16> -> vector<16xf32>
        %unpack3A_220 = tpu.unpack_subelements %get3A_218, 1 {pack_format = #tpu.pack_format<interleaved>} : vector<32xbf16> -> vector<16xf32>
        %mul3A_221 = arith.mulf %unpack3A_219, %gather3A : vector<16xf32>
        %mul3A_222 = arith.mulf %unpack3A_220, %gather3A_124 : vector<16xf32>
        %add3A_223 = arith.addf %mul3A_221, %mul3A_222 : vector<16xf32>
        %add3A_224 = arith.constant 1 : i32
        %add3A_225 = arith.addi %mul3A_180, %add3A_224 : i32
        %get3A_226 = arith.constant 0 : i32
        %get3A_227 = arith.index_cast %get3A_226 : i32 to index
        %get3A_228 = arith.index_cast %add3A_225 : i32 to index
        %get3A_229 = arith.constant 32 : index
        %get3A_230 = tpu.vector_load %arg12[%get3A_227, %get3A_228, %get3A_229] {strides = array<i32>} : memref<2x432x64xbf16, #tpu.memory_space<vmem>>, vector<32xbf16>,
        %unpack3A_231 = tpu.unpack_subelements %get3A_230, 0 {pack_format = #tpu.pack_format<interleaved>} : vector<32xbf16> -> vector<16xf32>
        %unpack3A_232 = tpu.unpack_subelements %get3A_230, 1 {pack_format = #tpu.pack_format<interleaved>} : vector<32xbf16> -> vector<16xf32>
        %mul3A_233 = arith.mulf %unpack3A_231, %gather3A_125 : vector<16xf32>
        %mul3A_234 = arith.mulf %unpack3A_232, %gather3A_126 : vector<16xf32>
        %add3A_235 = arith.addf %mul3A_233, %mul3A_234 : vector<16xf32>
        %add3A_236 = arith.addf %add3A_223, %add3A_235 : vector<16xf32>
        %eq3A_237 = arith.constant 1 : i32
        %eq3A_238 = vector.broadcast %eq3A_237 : i32 to vector<16xi32>
        %eq3A_239 = arith.cmpi eq, %iota3A, %eq3A_238 : vector<16xi32>
        %reduce_sum3A_240 = arith.constant true
        %reduce_sum3A_241 = vector.broadcast %reduce_sum3A_240 : i1 to vector<16xi1>
        %reduce_sum3A_242 = tpu.scan <sum>, %add3A_236 masked %reduce_sum3A_241 : vector<16xf32>, vector<16xi1> -> vector<16xf32>
        %reduce_sum3A_243 = vector.extract %reduce_sum3A_242[15] : f32 from vector<16xf32>
        %broadcast_in_dim3A_244 = vector.broadcast %reduce_sum3A_243 : f32 to vector<16xf32>
        %select_n3A_245 = arith.select %eq3A_239, %broadcast_in_dim3A_244, %select_n3A : vector<16xi1>, vector<16xf32>
        %add3A_246 = arith.constant 2 : i32
        %add3A_247 = arith.addi %mul3A_180, %add3A_246 : i32
        %get3A_248 = arith.constant 0 : i32
        %get3A_249 = arith.index_cast %get3A_248 : i32 to index
        %get3A_250 = arith.index_cast %add3A_247 : i32 to index
        %get3A_251 = arith.constant 0 : index
        %get3A_252 = tpu.vector_load %arg12[%get3A_249, %get3A_250, %get3A_251] {strides = array<i32>} : memref<2x432x64xbf16, #tpu.memory_space<vmem>>, vector<32xbf16>,
        %unpack3A_253 = tpu.unpack_subelements %get3A_252, 0 {pack_format = #tpu.pack_format<interleaved>} : vector<32xbf16> -> vector<16xf32>
        %unpack3A_254 = tpu.unpack_subelements %get3A_252, 1 {pack_format = #tpu.pack_format<interleaved>} : vector<32xbf16> -> vector<16xf32>
        %mul3A_255 = arith.mulf %unpack3A_253, %gather3A : vector<16xf32>
        %mul3A_256 = arith.mulf %unpack3A_254, %gather3A_124 : vector<16xf32>
        %add3A_257 = arith.addf %mul3A_255, %mul3A_256 : vector<16xf32>
        %add3A_258 = arith.constant 2 : i32
        %add3A_259 = arith.addi %mul3A_180, %add3A_258 : i32
        %get3A_260 = arith.constant 0 : i32
        %get3A_261 = arith.index_cast %get3A_260 : i32 to index
        %get3A_262 = arith.index_cast %add3A_259 : i32 to index
        %get3A_263 = arith.constant 32 : index
        %get3A_264 = tpu.vector_load %arg12[%get3A_261, %get3A_262, %get3A_263] {strides = array<i32>} : memref<2x432x64xbf16, #tpu.memory_space<vmem>>, vector<32xbf16>,
        %unpack3A_265 = tpu.unpack_subelements %get3A_264, 0 {pack_format = #tpu.pack_format<interleaved>} : vector<32xbf16> -> vector<16xf32>
        %unpack3A_266 = tpu.unpack_subelements %get3A_264, 1 {pack_format = #tpu.pack_format<interleaved>} : vector<32xbf16> -> vector<16xf32>
        %mul3A_267 = arith.mulf %unpack3A_265, %gather3A_125 : vector<16xf32>
        %mul3A_268 = arith.mulf %unpack3A_266, %gather3A_126 : vector<16xf32>
        %add3A_269 = arith.addf %mul3A_267, %mul3A_268 : vector<16xf32>
        %add3A_270 = arith.addf %add3A_257, %add3A_269 : vector<16xf32>
        %eq3A_271 = arith.constant 2 : i32
        %eq3A_272 = vector.broadcast %eq3A_271 : i32 to vector<16xi32>
        %eq3A_273 = arith.cmpi eq, %iota3A, %eq3A_272 : vector<16xi32>
        %reduce_sum3A_274 = arith.constant true
        %reduce_sum3A_275 = vector.broadcast %reduce_sum3A_274 : i1 to vector<16xi1>
        %reduce_sum3A_276 = tpu.scan <sum>, %add3A_270 masked %reduce_sum3A_275 : vector<16xf32>, vector<16xi1> -> vector<16xf32>
        %reduce_sum3A_277 = vector.extract %reduce_sum3A_276[15] : f32 from vector<16xf32>
        %broadcast_in_dim3A_278 = vector.broadcast %reduce_sum3A_277 : f32 to vector<16xf32>
        %select_n3A_279 = arith.select %eq3A_273, %broadcast_in_dim3A_278, %select_n3A_245 : vector<16xi1>, vector<16xf32>
        %add3A_280 = arith.constant 3 : i32
        %add3A_281 = arith.addi %mul3A_180, %add3A_280 : i32
        %get3A_282 = arith.constant 0 : i32
        %get3A_283 = arith.index_cast %get3A_282 : i32 to index
        %get3A_284 = arith.index_cast %add3A_281 : i32 to index
        %get3A_285 = arith.constant 0 : index
        %get3A_286 = tpu.vector_load %arg12[%get3A_283, %get3A_284, %get3A_285] {strides = array<i32>} : memref<2x432x64xbf16, #tpu.memory_space<vmem>>, vector<32xbf16>,
        %unpack3A_287 = tpu.unpack_subelements %get3A_286, 0 {pack_format = #tpu.pack_format<interleaved>} : vector<32xbf16> -> vector<16xf32>
        %unpack3A_288 = tpu.unpack_subelements %get3A_286, 1 {pack_format = #tpu.pack_format<interleaved>} : vector<32xbf16> -> vector<16xf32>
        %mul3A_289 = arith.mulf %unpack3A_287, %gather3A : vector<16xf32>
        %mul3A_290 = arith.mulf %unpack3A_288, %gather3A_124 : vector<16xf32>
        %add3A_291 = arith.addf %mul3A_289, %mul3A_290 : vector<16xf32>
        %add3A_292 = arith.constant 3 : i32
        %add3A_293 = arith.addi %mul3A_180, %add3A_292 : i32
        %get3A_294 = arith.constant 0 : i32
        %get3A_295 = arith.index_cast %get3A_294 : i32 to index
        %get3A_296 = arith.index_cast %add3A_293 : i32 to index
        %get3A_297 = arith.constant 32 : index
        %get3A_298 = tpu.vector_load %arg12[%get3A_295, %get3A_296, %get3A_297] {strides = array<i32>} : memref<2x432x64xbf16, #tpu.memory_space<vmem>>, vector<32xbf16>,
        %unpack3A_299 = tpu.unpack_subelements %get3A_298, 0 {pack_format = #tpu.pack_format<interleaved>} : vector<32xbf16> -> vector<16xf32>
        %unpack3A_300 = tpu.unpack_subelements %get3A_298, 1 {pack_format = #tpu.pack_format<interleaved>} : vector<32xbf16> -> vector<16xf32>
        %mul3A_301 = arith.mulf %unpack3A_299, %gather3A_125 : vector<16xf32>
        %mul3A_302 = arith.mulf %unpack3A_300, %gather3A_126 : vector<16xf32>
        %add3A_303 = arith.addf %mul3A_301, %mul3A_302 : vector<16xf32>
        %add3A_304 = arith.addf %add3A_291, %add3A_303 : vector<16xf32>
        %eq3A_305 = arith.constant 3 : i32
        %eq3A_306 = vector.broadcast %eq3A_305 : i32 to vector<16xi32>
        %eq3A_307 = arith.cmpi eq, %iota3A, %eq3A_306 : vector<16xi32>
        %reduce_sum3A_308 = arith.constant true
        %reduce_sum3A_309 = vector.broadcast %reduce_sum3A_308 : i1 to vector<16xi1>
        %reduce_sum3A_310 = tpu.scan <sum>, %add3A_304 masked %reduce_sum3A_309 : vector<16xf32>, vector<16xi1> -> vector<16xf32>
        %reduce_sum3A_311 = vector.extract %reduce_sum3A_310[15] : f32 from vector<16xf32>
        %broadcast_in_dim3A_312 = vector.broadcast %reduce_sum3A_311 : f32 to vector<16xf32>
        %select_n3A_313 = arith.select %eq3A_307, %broadcast_in_dim3A_312, %select_n3A_279 : vector<16xi1>, vector<16xf32>
        %add3A_314 = arith.constant 4 : i32
        %add3A_315 = arith.addi %mul3A_180, %add3A_314 : i32
        %get3A_316 = arith.constant 0 : i32
        %get3A_317 = arith.index_cast %get3A_316 : i32 to index
        %get3A_318 = arith.index_cast %add3A_315 : i32 to index
        %get3A_319 = arith.constant 0 : index
        %get3A_320 = tpu.vector_load %arg12[%get3A_317, %get3A_318, %get3A_319] {strides = array<i32>} : memref<2x432x64xbf16, #tpu.memory_space<vmem>>, vector<32xbf16>,
        %unpack3A_321 = tpu.unpack_subelements %get3A_320, 0 {pack_format = #tpu.pack_format<interleaved>} : vector<32xbf16> -> vector<16xf32>
        %unpack3A_322 = tpu.unpack_subelements %get3A_320, 1 {pack_format = #tpu.pack_format<interleaved>} : vector<32xbf16> -> vector<16xf32>
        %mul3A_323 = arith.mulf %unpack3A_321, %gather3A : vector<16xf32>
        %mul3A_324 = arith.mulf %unpack3A_322, %gather3A_124 : vector<16xf32>
        %add3A_325 = arith.addf %mul3A_323, %mul3A_324 : vector<16xf32>
        %add3A_326 = arith.constant 4 : i32
        %add3A_327 = arith.addi %mul3A_180, %add3A_326 : i32
        %get3A_328 = arith.constant 0 : i32
        %get3A_329 = arith.index_cast %get3A_328 : i32 to index
        %get3A_330 = arith.index_cast %add3A_327 : i32 to index
        %get3A_331 = arith.constant 32 : index
        %get3A_332 = tpu.vector_load %arg12[%get3A_329, %get3A_330, %get3A_331] {strides = array<i32>} : memref<2x432x64xbf16, #tpu.memory_space<vmem>>, vector<32xbf16>,
        %unpack3A_333 = tpu.unpack_subelements %get3A_332, 0 {pack_format = #tpu.pack_format<interleaved>} : vector<32xbf16> -> vector<16xf32>
        %unpack3A_334 = tpu.unpack_subelements %get3A_332, 1 {pack_format = #tpu.pack_format<interleaved>} : vector<32xbf16> -> vector<16xf32>
        %mul3A_335 = arith.mulf %unpack3A_333, %gather3A_125 : vector<16xf32>
        %mul3A_336 = arith.mulf %unpack3A_334, %gather3A_126 : vector<16xf32>
        %add3A_337 = arith.addf %mul3A_335, %mul3A_336 : vector<16xf32>
        %add3A_338 = arith.addf %add3A_325, %add3A_337 : vector<16xf32>
        %eq3A_339 = arith.constant 4 : i32
        %eq3A_340 = vector.broadcast %eq3A_339 : i32 to vector<16xi32>
        %eq3A_341 = arith.cmpi eq, %iota3A, %eq3A_340 : vector<16xi32>
        %reduce_sum3A_342 = arith.constant true
        %reduce_sum3A_343 = vector.broadcast %reduce_sum3A_342 : i1 to vector<16xi1>
        %reduce_sum3A_344 = tpu.scan <sum>, %add3A_338 masked %reduce_sum3A_343 : vector<16xf32>, vector<16xi1> -> vector<16xf32>
        %reduce_sum3A_345 = vector.extract %reduce_sum3A_344[15] : f32 from vector<16xf32>
        %broadcast_in_dim3A_346 = vector.broadcast %reduce_sum3A_345 : f32 to vector<16xf32>
        %select_n3A_347 = arith.select %eq3A_341, %broadcast_in_dim3A_346, %select_n3A_313 : vector<16xi1>, vector<16xf32>
        %add3A_348 = arith.constant 5 : i32
        %add3A_349 = arith.addi %mul3A_180, %add3A_348 : i32
        %get3A_350 = arith.constant 0 : i32
        %get3A_351 = arith.index_cast %get3A_350 : i32 to index
        %get3A_352 = arith.index_cast %add3A_349 : i32 to index
        %get3A_353 = arith.constant 0 : index
        %get3A_354 = tpu.vector_load %arg12[%get3A_351, %get3A_352, %get3A_353] {strides = array<i32>} : memref<2x432x64xbf16, #tpu.memory_space<vmem>>, vector<32xbf16>,
        %unpack3A_355 = tpu.unpack_subelements %get3A_354, 0 {pack_format = #tpu.pack_format<interleaved>} : vector<32xbf16> -> vector<16xf32>
        %unpack3A_356 = tpu.unpack_subelements %get3A_354, 1 {pack_format = #tpu.pack_format<interleaved>} : vector<32xbf16> -> vector<16xf32>
        %mul3A_357 = arith.mulf %unpack3A_355, %gather3A : vector<16xf32>
        %mul3A_358 = arith.mulf %unpack3A_356, %gather3A_124 : vector<16xf32>
        %add3A_359 = arith.addf %mul3A_357, %mul3A_358 : vector<16xf32>
        %add3A_360 = arith.constant 5 : i32
        %add3A_361 = arith.addi %mul3A_180, %add3A_360 : i32
        %get3A_362 = arith.constant 0 : i32
        %get3A_363 = arith.index_cast %get3A_362 : i32 to index
        %get3A_364 = arith.index_cast %add3A_361 : i32 to index
        %get3A_365 = arith.constant 32 : index
        %get3A_366 = tpu.vector_load %arg12[%get3A_363, %get3A_364, %get3A_365] {strides = array<i32>} : memref<2x432x64xbf16, #tpu.memory_space<vmem>>, vector<32xbf16>,
        %unpack3A_367 = tpu.unpack_subelements %get3A_366, 0 {pack_format = #tpu.pack_format<interleaved>} : vector<32xbf16> -> vector<16xf32>
        %unpack3A_368 = tpu.unpack_subelements %get3A_366, 1 {pack_format = #tpu.pack_format<interleaved>} : vector<32xbf16> -> vector<16xf32>
        %mul3A_369 = arith.mulf %unpack3A_367, %gather3A_125 : vector<16xf32>
        %mul3A_370 = arith.mulf %unpack3A_368, %gather3A_126 : vector<16xf32>
        %add3A_371 = arith.addf %mul3A_369, %mul3A_370 : vector<16xf32>
        %add3A_372 = arith.addf %add3A_359, %add3A_371 : vector<16xf32>
        %eq3A_373 = arith.constant 5 : i32
        %eq3A_374 = vector.broadcast %eq3A_373 : i32 to vector<16xi32>
        %eq3A_375 = arith.cmpi eq, %iota3A, %eq3A_374 : vector<16xi32>
        %reduce_sum3A_376 = arith.constant true
        %reduce_sum3A_377 = vector.broadcast %reduce_sum3A_376 : i1 to vector<16xi1>
        %reduce_sum3A_378 = tpu.scan <sum>, %add3A_372 masked %reduce_sum3A_377 : vector<16xf32>, vector<16xi1> -> vector<16xf32>
        %reduce_sum3A_379 = vector.extract %reduce_sum3A_378[15] : f32 from vector<16xf32>
        %broadcast_in_dim3A_380 = vector.broadcast %reduce_sum3A_379 : f32 to vector<16xf32>
        %select_n3A_381 = arith.select %eq3A_375, %broadcast_in_dim3A_380, %select_n3A_347 : vector<16xi1>, vector<16xf32>
        %add3A_382 = arith.constant 6 : i32
        %add3A_383 = arith.addi %mul3A_180, %add3A_382 : i32
        %get3A_384 = arith.constant 0 : i32
        %get3A_385 = arith.index_cast %get3A_384 : i32 to index
        %get3A_386 = arith.index_cast %add3A_383 : i32 to index
        %get3A_387 = arith.constant 0 : index
        %get3A_388 = tpu.vector_load %arg12[%get3A_385, %get3A_386, %get3A_387] {strides = array<i32>} : memref<2x432x64xbf16, #tpu.memory_space<vmem>>, vector<32xbf16>,
        %unpack3A_389 = tpu.unpack_subelements %get3A_388, 0 {pack_format = #tpu.pack_format<interleaved>} : vector<32xbf16> -> vector<16xf32>
        %unpack3A_390 = tpu.unpack_subelements %get3A_388, 1 {pack_format = #tpu.pack_format<interleaved>} : vector<32xbf16> -> vector<16xf32>
        %mul3A_391 = arith.mulf %unpack3A_389, %gather3A : vector<16xf32>
        %mul3A_392 = arith.mulf %unpack3A_390, %gather3A_124 : vector<16xf32>
        %add3A_393 = arith.addf %mul3A_391, %mul3A_392 : vector<16xf32>
        %add3A_394 = arith.constant 6 : i32
        %add3A_395 = arith.addi %mul3A_180, %add3A_394 : i32
        %get3A_396 = arith.constant 0 : i32
        %get3A_397 = arith.index_cast %get3A_396 : i32 to index
        %get3A_398 = arith.index_cast %add3A_395 : i32 to index
        %get3A_399 = arith.constant 32 : index
        %get3A_400 = tpu.vector_load %arg12[%get3A_397, %get3A_398, %get3A_399] {strides = array<i32>} : memref<2x432x64xbf16, #tpu.memory_space<vmem>>, vector<32xbf16>,
        %unpack3A_401 = tpu.unpack_subelements %get3A_400, 0 {pack_format = #tpu.pack_format<interleaved>} : vector<32xbf16> -> vector<16xf32>
        %unpack3A_402 = tpu.unpack_subelements %get3A_400, 1 {pack_format = #tpu.pack_format<interleaved>} : vector<32xbf16> -> vector<16xf32>
        %mul3A_403 = arith.mulf %unpack3A_401, %gather3A_125 : vector<16xf32>
        %mul3A_404 = arith.mulf %unpack3A_402, %gather3A_126 : vector<16xf32>
        %add3A_405 = arith.addf %mul3A_403, %mul3A_404 : vector<16xf32>
        %add3A_406 = arith.addf %add3A_393, %add3A_405 : vector<16xf32>
        %eq3A_407 = arith.constant 6 : i32
        %eq3A_408 = vector.broadcast %eq3A_407 : i32 to vector<16xi32>
        %eq3A_409 = arith.cmpi eq, %iota3A, %eq3A_408 : vector<16xi32>
        %reduce_sum3A_410 = arith.constant true
        %reduce_sum3A_411 = vector.broadcast %reduce_sum3A_410 : i1 to vector<16xi1>
        %reduce_sum3A_412 = tpu.scan <sum>, %add3A_406 masked %reduce_sum3A_411 : vector<16xf32>, vector<16xi1> -> vector<16xf32>
        %reduce_sum3A_413 = vector.extract %reduce_sum3A_412[15] : f32 from vector<16xf32>
        %broadcast_in_dim3A_414 = vector.broadcast %reduce_sum3A_413 : f32 to vector<16xf32>
        %select_n3A_415 = arith.select %eq3A_409, %broadcast_in_dim3A_414, %select_n3A_381 : vector<16xi1>, vector<16xf32>
        %add3A_416 = arith.constant 7 : i32
        %add3A_417 = arith.addi %mul3A_180, %add3A_416 : i32
        %get3A_418 = arith.constant 0 : i32
        %get3A_419 = arith.index_cast %get3A_418 : i32 to index
        %get3A_420 = arith.index_cast %add3A_417 : i32 to index
        %get3A_421 = arith.constant 0 : index
        %get3A_422 = tpu.vector_load %arg12[%get3A_419, %get3A_420, %get3A_421] {strides = array<i32>} : memref<2x432x64xbf16, #tpu.memory_space<vmem>>, vector<32xbf16>,
        %unpack3A_423 = tpu.unpack_subelements %get3A_422, 0 {pack_format = #tpu.pack_format<interleaved>} : vector<32xbf16> -> vector<16xf32>
        %unpack3A_424 = tpu.unpack_subelements %get3A_422, 1 {pack_format = #tpu.pack_format<interleaved>} : vector<32xbf16> -> vector<16xf32>
        %mul3A_425 = arith.mulf %unpack3A_423, %gather3A : vector<16xf32>
        %mul3A_426 = arith.mulf %unpack3A_424, %gather3A_124 : vector<16xf32>
        %add3A_427 = arith.addf %mul3A_425, %mul3A_426 : vector<16xf32>
        %add3A_428 = arith.constant 7 : i32
        %add3A_429 = arith.addi %mul3A_180, %add3A_428 : i32
        %get3A_430 = arith.constant 0 : i32
        %get3A_431 = arith.index_cast %get3A_430 : i32 to index
        %get3A_432 = arith.index_cast %add3A_429 : i32 to index
        %get3A_433 = arith.constant 32 : index
        %get3A_434 = tpu.vector_load %arg12[%get3A_431, %get3A_432, %get3A_433] {strides = array<i32>} : memref<2x432x64xbf16, #tpu.memory_space<vmem>>, vector<32xbf16>,
        %unpack3A_435 = tpu.unpack_subelements %get3A_434, 0 {pack_format = #tpu.pack_format<interleaved>} : vector<32xbf16> -> vector<16xf32>
        %unpack3A_436 = tpu.unpack_subelements %get3A_434, 1 {pack_format = #tpu.pack_format<interleaved>} : vector<32xbf16> -> vector<16xf32>
        %mul3A_437 = arith.mulf %unpack3A_435, %gather3A_125 : vector<16xf32>
        %mul3A_438 = arith.mulf %unpack3A_436, %gather3A_126 : vector<16xf32>
        %add3A_439 = arith.addf %mul3A_437, %mul3A_438 : vector<16xf32>
        %add3A_440 = arith.addf %add3A_427, %add3A_439 : vector<16xf32>
        %eq3A_441 = arith.constant 7 : i32
        %eq3A_442 = vector.broadcast %eq3A_441 : i32 to vector<16xi32>
        %eq3A_443 = arith.cmpi eq, %iota3A, %eq3A_442 : vector<16xi32>
        %reduce_sum3A_444 = arith.constant true
        %reduce_sum3A_445 = vector.broadcast %reduce_sum3A_444 : i1 to vector<16xi1>
        %reduce_sum3A_446 = tpu.scan <sum>, %add3A_440 masked %reduce_sum3A_445 : vector<16xf32>, vector<16xi1> -> vector<16xf32>
        %reduce_sum3A_447 = vector.extract %reduce_sum3A_446[15] : f32 from vector<16xf32>
        %broadcast_in_dim3A_448 = vector.broadcast %reduce_sum3A_447 : f32 to vector<16xf32>
        %select_n3A_449 = arith.select %eq3A_443, %broadcast_in_dim3A_448, %select_n3A_415 : vector<16xi1>, vector<16xf32>
        %add3A_450 = arith.constant 8 : i32
        %add3A_451 = arith.addi %mul3A_180, %add3A_450 : i32
        %get3A_452 = arith.constant 0 : i32
        %get3A_453 = arith.index_cast %get3A_452 : i32 to index
        %get3A_454 = arith.index_cast %add3A_451 : i32 to index
        %get3A_455 = arith.constant 0 : index
        %get3A_456 = tpu.vector_load %arg12[%get3A_453, %get3A_454, %get3A_455] {strides = array<i32>} : memref<2x432x64xbf16, #tpu.memory_space<vmem>>, vector<32xbf16>,
        %unpack3A_457 = tpu.unpack_subelements %get3A_456, 0 {pack_format = #tpu.pack_format<interleaved>} : vector<32xbf16> -> vector<16xf32>
        %unpack3A_458 = tpu.unpack_subelements %get3A_456, 1 {pack_format = #tpu.pack_format<interleaved>} : vector<32xbf16> -> vector<16xf32>
        %mul3A_459 = arith.mulf %unpack3A_457, %gather3A : vector<16xf32>
        %mul3A_460 = arith.mulf %unpack3A_458, %gather3A_124 : vector<16xf32>
        %add3A_461 = arith.addf %mul3A_459, %mul3A_460 : vector<16xf32>
        %add3A_462 = arith.constant 8 : i32
        %add3A_463 = arith.addi %mul3A_180, %add3A_462 : i32
        %get3A_464 = arith.constant 0 : i32
        %get3A_465 = arith.index_cast %get3A_464 : i32 to index
        %get3A_466 = arith.index_cast %add3A_463 : i32 to index
        %get3A_467 = arith.constant 32 : index
        %get3A_468 = tpu.vector_load %arg12[%get3A_465, %get3A_466, %get3A_467] {strides = array<i32>} : memref<2x432x64xbf16, #tpu.memory_space<vmem>>, vector<32xbf16>,
        %unpack3A_469 = tpu.unpack_subelements %get3A_468, 0 {pack_format = #tpu.pack_format<interleaved>} : vector<32xbf16> -> vector<16xf32>
        %unpack3A_470 = tpu.unpack_subelements %get3A_468, 1 {pack_format = #tpu.pack_format<interleaved>} : vector<32xbf16> -> vector<16xf32>
        %mul3A_471 = arith.mulf %unpack3A_469, %gather3A_125 : vector<16xf32>
        %mul3A_472 = arith.mulf %unpack3A_470, %gather3A_126 : vector<16xf32>
        %add3A_473 = arith.addf %mul3A_471, %mul3A_472 : vector<16xf32>
        %add3A_474 = arith.addf %add3A_461, %add3A_473 : vector<16xf32>
        %eq3A_475 = arith.constant 8 : i32
        %eq3A_476 = vector.broadcast %eq3A_475 : i32 to vector<16xi32>
        %eq3A_477 = arith.cmpi eq, %iota3A, %eq3A_476 : vector<16xi32>
        %reduce_sum3A_478 = arith.constant true
        %reduce_sum3A_479 = vector.broadcast %reduce_sum3A_478 : i1 to vector<16xi1>
        %reduce_sum3A_480 = tpu.scan <sum>, %add3A_474 masked %reduce_sum3A_479 : vector<16xf32>, vector<16xi1> -> vector<16xf32>
        %reduce_sum3A_481 = vector.extract %reduce_sum3A_480[15] : f32 from vector<16xf32>
        %broadcast_in_dim3A_482 = vector.broadcast %reduce_sum3A_481 : f32 to vector<16xf32>
        %select_n3A_483 = arith.select %eq3A_477, %broadcast_in_dim3A_482, %select_n3A_449 : vector<16xi1>, vector<16xf32>
        %add3A_484 = arith.constant 9 : i32
        %add3A_485 = arith.addi %mul3A_180, %add3A_484 : i32
        %get3A_486 = arith.constant 0 : i32
        %get3A_487 = arith.index_cast %get3A_486 : i32 to index
        %get3A_488 = arith.index_cast %add3A_485 : i32 to index
        %get3A_489 = arith.constant 0 : index
        %get3A_490 = tpu.vector_load %arg12[%get3A_487, %get3A_488, %get3A_489] {strides = array<i32>} : memref<2x432x64xbf16, #tpu.memory_space<vmem>>, vector<32xbf16>,
        %unpack3A_491 = tpu.unpack_subelements %get3A_490, 0 {pack_format = #tpu.pack_format<interleaved>} : vector<32xbf16> -> vector<16xf32>
        %unpack3A_492 = tpu.unpack_subelements %get3A_490, 1 {pack_format = #tpu.pack_format<interleaved>} : vector<32xbf16> -> vector<16xf32>
        %mul3A_493 = arith.mulf %unpack3A_491, %gather3A : vector<16xf32>
        %mul3A_494 = arith.mulf %unpack3A_492, %gather3A_124 : vector<16xf32>
        %add3A_495 = arith.addf %mul3A_493, %mul3A_494 : vector<16xf32>
        %add3A_496 = arith.constant 9 : i32
        %add3A_497 = arith.addi %mul3A_180, %add3A_496 : i32
        %get3A_498 = arith.constant 0 : i32
        %get3A_499 = arith.index_cast %get3A_498 : i32 to index
        %get3A_500 = arith.index_cast %add3A_497 : i32 to index
        %get3A_501 = arith.constant 32 : index
        %get3A_502 = tpu.vector_load %arg12[%get3A_499, %get3A_500, %get3A_501] {strides = array<i32>} : memref<2x432x64xbf16, #tpu.memory_space<vmem>>, vector<32xbf16>,
        %unpack3A_503 = tpu.unpack_subelements %get3A_502, 0 {pack_format = #tpu.pack_format<interleaved>} : vector<32xbf16> -> vector<16xf32>
        %unpack3A_504 = tpu.unpack_subelements %get3A_502, 1 {pack_format = #tpu.pack_format<interleaved>} : vector<32xbf16> -> vector<16xf32>
        %mul3A_505 = arith.mulf %unpack3A_503, %gather3A_125 : vector<16xf32>
        %mul3A_506 = arith.mulf %unpack3A_504, %gather3A_126 : vector<16xf32>
        %add3A_507 = arith.addf %mul3A_505, %mul3A_506 : vector<16xf32>
        %add3A_508 = arith.addf %add3A_495, %add3A_507 : vector<16xf32>
        %eq3A_509 = arith.constant 9 : i32
        %eq3A_510 = vector.broadcast %eq3A_509 : i32 to vector<16xi32>
        %eq3A_511 = arith.cmpi eq, %iota3A, %eq3A_510 : vector<16xi32>
        %reduce_sum3A_512 = arith.constant true
        %reduce_sum3A_513 = vector.broadcast %reduce_sum3A_512 : i1 to vector<16xi1>
        %reduce_sum3A_514 = tpu.scan <sum>, %add3A_508 masked %reduce_sum3A_513 : vector<16xf32>, vector<16xi1> -> vector<16xf32>
        %reduce_sum3A_515 = vector.extract %reduce_sum3A_514[15] : f32 from vector<16xf32>
        %broadcast_in_dim3A_516 = vector.broadcast %reduce_sum3A_515 : f32 to vector<16xf32>
        %select_n3A_517 = arith.select %eq3A_511, %broadcast_in_dim3A_516, %select_n3A_483 : vector<16xi1>, vector<16xf32>
        %add3A_518 = arith.constant 10 : i32
        %add3A_519 = arith.addi %mul3A_180, %add3A_518 : i32
        %get3A_520 = arith.constant 0 : i32
        %get3A_521 = arith.index_cast %get3A_520 : i32 to index
        %get3A_522 = arith.index_cast %add3A_519 : i32 to index
        %get3A_523 = arith.constant 0 : index
        %get3A_524 = tpu.vector_load %arg12[%get3A_521, %get3A_522, %get3A_523] {strides = array<i32>} : memref<2x432x64xbf16, #tpu.memory_space<vmem>>, vector<32xbf16>,
        %unpack3A_525 = tpu.unpack_subelements %get3A_524, 0 {pack_format = #tpu.pack_format<interleaved>} : vector<32xbf16> -> vector<16xf32>
        %unpack3A_526 = tpu.unpack_subelements %get3A_524, 1 {pack_format = #tpu.pack_format<interleaved>} : vector<32xbf16> -> vector<16xf32>
        %mul3A_527 = arith.mulf %unpack3A_525, %gather3A : vector<16xf32>
        %mul3A_528 = arith.mulf %unpack3A_526, %gather3A_124 : vector<16xf32>
        %add3A_529 = arith.addf %mul3A_527, %mul3A_528 : vector<16xf32>
        %add3A_530 = arith.constant 10 : i32
        %add3A_531 = arith.addi %mul3A_180, %add3A_530 : i32
        %get3A_532 = arith.constant 0 : i32
        %get3A_533 = arith.index_cast %get3A_532 : i32 to index
        %get3A_534 = arith.index_cast %add3A_531 : i32 to index
        %get3A_535 = arith.constant 32 : index
        %get3A_536 = tpu.vector_load %arg12[%get3A_533, %get3A_534, %get3A_535] {strides = array<i32>} : memref<2x432x64xbf16, #tpu.memory_space<vmem>>, vector<32xbf16>,
        %unpack3A_537 = tpu.unpack_subelements %get3A_536, 0 {pack_format = #tpu.pack_format<interleaved>} : vector<32xbf16> -> vector<16xf32>
        %unpack3A_538 = tpu.unpack_subelements %get3A_536, 1 {pack_format = #tpu.pack_format<interleaved>} : vector<32xbf16> -> vector<16xf32>
        %mul3A_539 = arith.mulf %unpack3A_537, %gather3A_125 : vector<16xf32>
        %mul3A_540 = arith.mulf %unpack3A_538, %gather3A_126 : vector<16xf32>
        %add3A_541 = arith.addf %mul3A_539, %mul3A_540 : vector<16xf32>
        %add3A_542 = arith.addf %add3A_529, %add3A_541 : vector<16xf32>
        %eq3A_543 = arith.constant 10 : i32
        %eq3A_544 = vector.broadcast %eq3A_543 : i32 to vector<16xi32>
        %eq3A_545 = arith.cmpi eq, %iota3A, %eq3A_544 : vector<16xi32>
        %reduce_sum3A_546 = arith.constant true
        %reduce_sum3A_547 = vector.broadcast %reduce_sum3A_546 : i1 to vector<16xi1>
        %reduce_sum3A_548 = tpu.scan <sum>, %add3A_542 masked %reduce_sum3A_547 : vector<16xf32>, vector<16xi1> -> vector<16xf32>
        %reduce_sum3A_549 = vector.extract %reduce_sum3A_548[15] : f32 from vector<16xf32>
        %broadcast_in_dim3A_550 = vector.broadcast %reduce_sum3A_549 : f32 to vector<16xf32>
        %select_n3A_551 = arith.select %eq3A_545, %broadcast_in_dim3A_550, %select_n3A_517 : vector<16xi1>, vector<16xf32>
        %add3A_552 = arith.constant 11 : i32
        %add3A_553 = arith.addi %mul3A_180, %add3A_552 : i32
        %get3A_554 = arith.constant 0 : i32
        %get3A_555 = arith.index_cast %get3A_554 : i32 to index
        %get3A_556 = arith.index_cast %add3A_553 : i32 to index
        %get3A_557 = arith.constant 0 : index
        %get3A_558 = tpu.vector_load %arg12[%get3A_555, %get3A_556, %get3A_557] {strides = array<i32>} : memref<2x432x64xbf16, #tpu.memory_space<vmem>>, vector<32xbf16>,
        %unpack3A_559 = tpu.unpack_subelements %get3A_558, 0 {pack_format = #tpu.pack_format<interleaved>} : vector<32xbf16> -> vector<16xf32>
        %unpack3A_560 = tpu.unpack_subelements %get3A_558, 1 {pack_format = #tpu.pack_format<interleaved>} : vector<32xbf16> -> vector<16xf32>
        %mul3A_561 = arith.mulf %unpack3A_559, %gather3A : vector<16xf32>
        %mul3A_562 = arith.mulf %unpack3A_560, %gather3A_124 : vector<16xf32>
        %add3A_563 = arith.addf %mul3A_561, %mul3A_562 : vector<16xf32>
        %add3A_564 = arith.constant 11 : i32
        %add3A_565 = arith.addi %mul3A_180, %add3A_564 : i32
        %get3A_566 = arith.constant 0 : i32
        %get3A_567 = arith.index_cast %get3A_566 : i32 to index
        %get3A_568 = arith.index_cast %add3A_565 : i32 to index
        %get3A_569 = arith.constant 32 : index
        %get3A_570 = tpu.vector_load %arg12[%get3A_567, %get3A_568, %get3A_569] {strides = array<i32>} : memref<2x432x64xbf16, #tpu.memory_space<vmem>>, vector<32xbf16>,
        %unpack3A_571 = tpu.unpack_subelements %get3A_570, 0 {pack_format = #tpu.pack_format<interleaved>} : vector<32xbf16> -> vector<16xf32>
        %unpack3A_572 = tpu.unpack_subelements %get3A_570, 1 {pack_format = #tpu.pack_format<interleaved>} : vector<32xbf16> -> vector<16xf32>
        %mul3A_573 = arith.mulf %unpack3A_571, %gather3A_125 : vector<16xf32>
        %mul3A_574 = arith.mulf %unpack3A_572, %gather3A_126 : vector<16xf32>
        %add3A_575 = arith.addf %mul3A_573, %mul3A_574 : vector<16xf32>
        %add3A_576 = arith.addf %add3A_563, %add3A_575 : vector<16xf32>
        %eq3A_577 = arith.constant 11 : i32
        %eq3A_578 = vector.broadcast %eq3A_577 : i32 to vector<16xi32>
        %eq3A_579 = arith.cmpi eq, %iota3A, %eq3A_578 : vector<16xi32>
        %reduce_sum3A_580 = arith.constant true
        %reduce_sum3A_581 = vector.broadcast %reduce_sum3A_580 : i1 to vector<16xi1>
        %reduce_sum3A_582 = tpu.scan <sum>, %add3A_576 masked %reduce_sum3A_581 : vector<16xf32>, vector<16xi1> -> vector<16xf32>
        %reduce_sum3A_583 = vector.extract %reduce_sum3A_582[15] : f32 from vector<16xf32>
        %broadcast_in_dim3A_584 = vector.broadcast %reduce_sum3A_583 : f32 to vector<16xf32>
        %select_n3A_585 = arith.select %eq3A_579, %broadcast_in_dim3A_584, %select_n3A_551 : vector<16xi1>, vector<16xf32>
        %add3A_586 = arith.constant 12 : i32
        %add3A_587 = arith.addi %mul3A_180, %add3A_586 : i32
        %get3A_588 = arith.constant 0 : i32
        %get3A_589 = arith.index_cast %get3A_588 : i32 to index
        %get3A_590 = arith.index_cast %add3A_587 : i32 to index
        %get3A_591 = arith.constant 0 : index
        %get3A_592 = tpu.vector_load %arg12[%get3A_589, %get3A_590, %get3A_591] {strides = array<i32>} : memref<2x432x64xbf16, #tpu.memory_space<vmem>>, vector<32xbf16>,
        %unpack3A_593 = tpu.unpack_subelements %get3A_592, 0 {pack_format = #tpu.pack_format<interleaved>} : vector<32xbf16> -> vector<16xf32>
        %unpack3A_594 = tpu.unpack_subelements %get3A_592, 1 {pack_format = #tpu.pack_format<interleaved>} : vector<32xbf16> -> vector<16xf32>
        %mul3A_595 = arith.mulf %unpack3A_593, %gather3A : vector<16xf32>
        %mul3A_596 = arith.mulf %unpack3A_594, %gather3A_124 : vector<16xf32>
        %add3A_597 = arith.addf %mul3A_595, %mul3A_596 : vector<16xf32>
        %add3A_598 = arith.constant 12 : i32
        %add3A_599 = arith.addi %mul3A_180, %add3A_598 : i32
        %get3A_600 = arith.constant 0 : i32
        %get3A_601 = arith.index_cast %get3A_600 : i32 to index
        %get3A_602 = arith.index_cast %add3A_599 : i32 to index
        %get3A_603 = arith.constant 32 : index
        %get3A_604 = tpu.vector_load %arg12[%get3A_601, %get3A_602, %get3A_603] {strides = array<i32>} : memref<2x432x64xbf16, #tpu.memory_space<vmem>>, vector<32xbf16>,
        %unpack3A_605 = tpu.unpack_subelements %get3A_604, 0 {pack_format = #tpu.pack_format<interleaved>} : vector<32xbf16> -> vector<16xf32>
        %unpack3A_606 = tpu.unpack_subelements %get3A_604, 1 {pack_format = #tpu.pack_format<interleaved>} : vector<32xbf16> -> vector<16xf32>
        %mul3A_607 = arith.mulf %unpack3A_605, %gather3A_125 : vector<16xf32>
        %mul3A_608 = arith.mulf %unpack3A_606, %gather3A_126 : vector<16xf32>
        %add3A_609 = arith.addf %mul3A_607, %mul3A_608 : vector<16xf32>
        %add3A_610 = arith.addf %add3A_597, %add3A_609 : vector<16xf32>
        %eq3A_611 = arith.constant 12 : i32
        %eq3A_612 = vector.broadcast %eq3A_611 : i32 to vector<16xi32>
        %eq3A_613 = arith.cmpi eq, %iota3A, %eq3A_612 : vector<16xi32>
        %reduce_sum3A_614 = arith.constant true
        %reduce_sum3A_615 = vector.broadcast %reduce_sum3A_614 : i1 to vector<16xi1>
        %reduce_sum3A_616 = tpu.scan <sum>, %add3A_610 masked %reduce_sum3A_615 : vector<16xf32>, vector<16xi1> -> vector<16xf32>
        %reduce_sum3A_617 = vector.extract %reduce_sum3A_616[15] : f32 from vector<16xf32>
        %broadcast_in_dim3A_618 = vector.broadcast %reduce_sum3A_617 : f32 to vector<16xf32>
        %select_n3A_619 = arith.select %eq3A_613, %broadcast_in_dim3A_618, %select_n3A_585 : vector<16xi1>, vector<16xf32>
        %add3A_620 = arith.constant 13 : i32
        %add3A_621 = arith.addi %mul3A_180, %add3A_620 : i32
        %get3A_622 = arith.constant 0 : i32
        %get3A_623 = arith.index_cast %get3A_622 : i32 to index
        %get3A_624 = arith.index_cast %add3A_621 : i32 to index
        %get3A_625 = arith.constant 0 : index
        %get3A_626 = tpu.vector_load %arg12[%get3A_623, %get3A_624, %get3A_625] {strides = array<i32>} : memref<2x432x64xbf16, #tpu.memory_space<vmem>>, vector<32xbf16>,
        %unpack3A_627 = tpu.unpack_subelements %get3A_626, 0 {pack_format = #tpu.pack_format<interleaved>} : vector<32xbf16> -> vector<16xf32>
        %unpack3A_628 = tpu.unpack_subelements %get3A_626, 1 {pack_format = #tpu.pack_format<interleaved>} : vector<32xbf16> -> vector<16xf32>
        %mul3A_629 = arith.mulf %unpack3A_627, %gather3A : vector<16xf32>
        %mul3A_630 = arith.mulf %unpack3A_628, %gather3A_124 : vector<16xf32>
        %add3A_631 = arith.addf %mul3A_629, %mul3A_630 : vector<16xf32>
        %add3A_632 = arith.constant 13 : i32
        %add3A_633 = arith.addi %mul3A_180, %add3A_632 : i32
        %get3A_634 = arith.constant 0 : i32
        %get3A_635 = arith.index_cast %get3A_634 : i32 to index
        %get3A_636 = arith.index_cast %add3A_633 : i32 to index
        %get3A_637 = arith.constant 32 : index
        %get3A_638 = tpu.vector_load %arg12[%get3A_635, %get3A_636, %get3A_637] {strides = array<i32>} : memref<2x432x64xbf16, #tpu.memory_space<vmem>>, vector<32xbf16>,
        %unpack3A_639 = tpu.unpack_subelements %get3A_638, 0 {pack_format = #tpu.pack_format<interleaved>} : vector<32xbf16> -> vector<16xf32>
        %unpack3A_640 = tpu.unpack_subelements %get3A_638, 1 {pack_format = #tpu.pack_format<interleaved>} : vector<32xbf16> -> vector<16xf32>
        %mul3A_641 = arith.mulf %unpack3A_639, %gather3A_125 : vector<16xf32>
        %mul3A_642 = arith.mulf %unpack3A_640, %gather3A_126 : vector<16xf32>
        %add3A_643 = arith.addf %mul3A_641, %mul3A_642 : vector<16xf32>
        %add3A_644 = arith.addf %add3A_631, %add3A_643 : vector<16xf32>
        %eq3A_645 = arith.constant 13 : i32
        %eq3A_646 = vector.broadcast %eq3A_645 : i32 to vector<16xi32>
        %eq3A_647 = arith.cmpi eq, %iota3A, %eq3A_646 : vector<16xi32>
        %reduce_sum3A_648 = arith.constant true
        %reduce_sum3A_649 = vector.broadcast %reduce_sum3A_648 : i1 to vector<16xi1>
        %reduce_sum3A_650 = tpu.scan <sum>, %add3A_644 masked %reduce_sum3A_649 : vector<16xf32>, vector<16xi1> -> vector<16xf32>
        %reduce_sum3A_651 = vector.extract %reduce_sum3A_650[15] : f32 from vector<16xf32>
        %broadcast_in_dim3A_652 = vector.broadcast %reduce_sum3A_651 : f32 to vector<16xf32>
        %select_n3A_653 = arith.select %eq3A_647, %broadcast_in_dim3A_652, %select_n3A_619 : vector<16xi1>, vector<16xf32>
        %add3A_654 = arith.constant 14 : i32
        %add3A_655 = arith.addi %mul3A_180, %add3A_654 : i32
        %get3A_656 = arith.constant 0 : i32
        %get3A_657 = arith.index_cast %get3A_656 : i32 to index
        %get3A_658 = arith.index_cast %add3A_655 : i32 to index
        %get3A_659 = arith.constant 0 : index
        %get3A_660 = tpu.vector_load %arg12[%get3A_657, %get3A_658, %get3A_659] {strides = array<i32>} : memref<2x432x64xbf16, #tpu.memory_space<vmem>>, vector<32xbf16>,
        %unpack3A_661 = tpu.unpack_subelements %get3A_660, 0 {pack_format = #tpu.pack_format<interleaved>} : vector<32xbf16> -> vector<16xf32>
        %unpack3A_662 = tpu.unpack_subelements %get3A_660, 1 {pack_format = #tpu.pack_format<interleaved>} : vector<32xbf16> -> vector<16xf32>
        %mul3A_663 = arith.mulf %unpack3A_661, %gather3A : vector<16xf32>
        %mul3A_664 = arith.mulf %unpack3A_662, %gather3A_124 : vector<16xf32>
        %add3A_665 = arith.addf %mul3A_663, %mul3A_664 : vector<16xf32>
        %add3A_666 = arith.constant 14 : i32
        %add3A_667 = arith.addi %mul3A_180, %add3A_666 : i32
        %get3A_668 = arith.constant 0 : i32
        %get3A_669 = arith.index_cast %get3A_668 : i32 to index
        %get3A_670 = arith.index_cast %add3A_667 : i32 to index
        %get3A_671 = arith.constant 32 : index
        %get3A_672 = tpu.vector_load %arg12[%get3A_669, %get3A_670, %get3A_671] {strides = array<i32>} : memref<2x432x64xbf16, #tpu.memory_space<vmem>>, vector<32xbf16>,
        %unpack3A_673 = tpu.unpack_subelements %get3A_672, 0 {pack_format = #tpu.pack_format<interleaved>} : vector<32xbf16> -> vector<16xf32>
        %unpack3A_674 = tpu.unpack_subelements %get3A_672, 1 {pack_format = #tpu.pack_format<interleaved>} : vector<32xbf16> -> vector<16xf32>
        %mul3A_675 = arith.mulf %unpack3A_673, %gather3A_125 : vector<16xf32>
        %mul3A_676 = arith.mulf %unpack3A_674, %gather3A_126 : vector<16xf32>
        %add3A_677 = arith.addf %mul3A_675, %mul3A_676 : vector<16xf32>
        %add3A_678 = arith.addf %add3A_665, %add3A_677 : vector<16xf32>
        %eq3A_679 = arith.constant 14 : i32
        %eq3A_680 = vector.broadcast %eq3A_679 : i32 to vector<16xi32>
        %eq3A_681 = arith.cmpi eq, %iota3A, %eq3A_680 : vector<16xi32>
        %reduce_sum3A_682 = arith.constant true
        %reduce_sum3A_683 = vector.broadcast %reduce_sum3A_682 : i1 to vector<16xi1>
        %reduce_sum3A_684 = tpu.scan <sum>, %add3A_678 masked %reduce_sum3A_683 : vector<16xf32>, vector<16xi1> -> vector<16xf32>
        %reduce_sum3A_685 = vector.extract %reduce_sum3A_684[15] : f32 from vector<16xf32>
        %broadcast_in_dim3A_686 = vector.broadcast %reduce_sum3A_685 : f32 to vector<16xf32>
        %select_n3A_687 = arith.select %eq3A_681, %broadcast_in_dim3A_686, %select_n3A_653 : vector<16xi1>, vector<16xf32>
        %add3A_688 = arith.constant 15 : i32
        %add3A_689 = arith.addi %mul3A_180, %add3A_688 : i32
        %get3A_690 = arith.constant 0 : i32
        %get3A_691 = arith.index_cast %get3A_690 : i32 to index
        %get3A_692 = arith.index_cast %add3A_689 : i32 to index
        %get3A_693 = arith.constant 0 : index
        %get3A_694 = tpu.vector_load %arg12[%get3A_691, %get3A_692, %get3A_693] {strides = array<i32>} : memref<2x432x64xbf16, #tpu.memory_space<vmem>>, vector<32xbf16>,
        %unpack3A_695 = tpu.unpack_subelements %get3A_694, 0 {pack_format = #tpu.pack_format<interleaved>} : vector<32xbf16> -> vector<16xf32>
        %unpack3A_696 = tpu.unpack_subelements %get3A_694, 1 {pack_format = #tpu.pack_format<interleaved>} : vector<32xbf16> -> vector<16xf32>
        %mul3A_697 = arith.mulf %unpack3A_695, %gather3A : vector<16xf32>
        %mul3A_698 = arith.mulf %unpack3A_696, %gather3A_124 : vector<16xf32>
        %add3A_699 = arith.addf %mul3A_697, %mul3A_698 : vector<16xf32>
        %add3A_700 = arith.constant 15 : i32
        %add3A_701 = arith.addi %mul3A_180, %add3A_700 : i32
        %get3A_702 = arith.constant 0 : i32
        %get3A_703 = arith.index_cast %get3A_702 : i32 to index
        %get3A_704 = arith.index_cast %add3A_701 : i32 to index
        %get3A_705 = arith.constant 32 : index
        %get3A_706 = tpu.vector_load %arg12[%get3A_703, %get3A_704, %get3A_705] {strides = array<i32>} : memref<2x432x64xbf16, #tpu.memory_space<vmem>>, vector<32xbf16>,
        %unpack3A_707 = tpu.unpack_subelements %get3A_706, 0 {pack_format = #tpu.pack_format<interleaved>} : vector<32xbf16> -> vector<16xf32>
        %unpack3A_708 = tpu.unpack_subelements %get3A_706, 1 {pack_format = #tpu.pack_format<interleaved>} : vector<32xbf16> -> vector<16xf32>
        %mul3A_709 = arith.mulf %unpack3A_707, %gather3A_125 : vector<16xf32>
        %mul3A_710 = arith.mulf %unpack3A_708, %gather3A_126 : vector<16xf32>
        %add3A_711 = arith.addf %mul3A_709, %mul3A_710 : vector<16xf32>
        %add3A_712 = arith.addf %add3A_699, %add3A_711 : vector<16xf32>
        %eq3A_713 = arith.constant 15 : i32
        %eq3A_714 = vector.broadcast %eq3A_713 : i32 to vector<16xi32>
        %eq3A_715 = arith.cmpi eq, %iota3A, %eq3A_714 : vector<16xi32>
        %reduce_sum3A_716 = arith.constant true
        %reduce_sum3A_717 = vector.broadcast %reduce_sum3A_716 : i1 to vector<16xi1>
        %reduce_sum3A_718 = tpu.scan <sum>, %add3A_712 masked %reduce_sum3A_717 : vector<16xf32>, vector<16xi1> -> vector<16xf32>
        %reduce_sum3A_719 = vector.extract %reduce_sum3A_718[15] : f32 from vector<16xf32>
        %broadcast_in_dim3A_720 = vector.broadcast %reduce_sum3A_719 : f32 to vector<16xf32>
        %select_n3A_721 = arith.select %eq3A_715, %broadcast_in_dim3A_720, %select_n3A_687 : vector<16xi1>, vector<16xf32>
        %swap3A = arith.index_cast %mul3A_180 : i32 to index
        %swap3A_722 = tpu.vector_load %arg13[%swap3A] {strides = array<i32>} : memref<432xf32, #tpu.memory_space<vmem>>, vector<16xf32>,
        tpu.vector_store %arg13[%swap3A], %select_n3A_721 {strides = array<i32>} : memref<432xf32, #tpu.memory_space<vmem>>, vector<16xf32>,
      }
      %scan3A_131 = arith.constant 27 : i32
      %add3A_132 = arith.addi %mul3A_2, %mul3A_76 : i32
      "tpu.region"() ({
        %run_scoped3A = tpu.sem_alloc : memref<!tpu.dma_semaphore, #tpu.memory_space<semaphore_mem>>
        %dma_start3A_174 = arith.constant 0 : i32
        %dma_start3A_175 = tpu.memref_slice %arg7[%add3A_132, %dma_start3A_174] : memref<4096x432xf32, #tpu.memory_space<hbm>> -> memref<1x432xf32, #tpu.memory_space<hbm>>
        %dma_start3A_176 = tpu.memref_squeeze %dma_start3A_175 : memref<1x432xf32, #tpu.memory_space<hbm>> -> memref<432xf32, #tpu.memory_space<hbm>>
        %dma_start3A_177 = arith.constant 0 : i32
        %dma_start3A_178 = tpu.memref_slice %arg7[%add3A_132, %dma_start3A_177] : memref<4096x432xf32, #tpu.memory_space<hbm>> -> memref<1x432xf32, #tpu.memory_space<hbm>>
        %dma_start3A_179 = tpu.memref_squeeze %dma_start3A_178 : memref<1x432xf32, #tpu.memory_space<hbm>> -> memref<432xf32, #tpu.memory_space<hbm>>
        tpu.enqueue_dma source(%arg13 : memref<432xf32, #tpu.memory_space<vmem>>) target(%dma_start3A_179 : memref<432xf32, #tpu.memory_space<hbm>>) target_semaphore(%run_scoped3A : memref<!tpu.dma_semaphore, #tpu.memory_space<semaphore_mem>>)
        %dma_wait3A_180 = arith.constant 0 : i32
        %dma_wait3A_181 = tpu.memref_slice %arg7[%add3A_132, %dma_wait3A_180] : memref<4096x432xf32, #tpu.memory_space<hbm>> -> memref<1x432xf32, #tpu.memory_space<hbm>>
        %dma_wait3A_182 = tpu.memref_squeeze %dma_wait3A_181 : memref<1x432xf32, #tpu.memory_space<hbm>> -> memref<432xf32, #tpu.memory_space<hbm>>
        %dma_wait3A_183 = arith.constant 0 : i32
        %dma_wait3A_184 = tpu.memref_slice %arg7[%add3A_132, %dma_wait3A_183] : memref<4096x432xf32, #tpu.memory_space<hbm>> -> memref<1x432xf32, #tpu.memory_space<hbm>>
        %dma_wait3A_185 = tpu.memref_squeeze %dma_wait3A_184 : memref<1x432xf32, #tpu.memory_space<hbm>> -> memref<432xf32, #tpu.memory_space<hbm>>
        tpu.wait_dma2 semaphore(%run_scoped3A : memref<!tpu.dma_semaphore, #tpu.memory_space<semaphore_mem>>) src(%arg13 : memref<432xf32, #tpu.memory_space<vmem>>) dst(%dma_wait3A_185 : memref<432xf32, #tpu.memory_space<hbm>>)
        tpu.yield
      }) : () -> ()
      %add3A_133 = arith.constant 2 : i32
      %add3A_134 = arith.addi %mul3A_76, %add3A_133 : i32
      %lt3A = arith.constant 128 : i32
      %lt3A_135 = arith.cmpi slt, %add3A_134, %lt3A : i32
      %convert_element_type3A = arith.extui %lt3A_135 : i1 to i32
      %cond3A = arith.constant 0 : i32
      %cond3A_136 = arith.cmpi ne, %convert_element_type3A, %cond3A : i32
      scf.if %cond3A_136 {
        %add3A_174 = arith.constant 2 : i32
        %add3A_175 = arith.addi %mul3A_76, %add3A_174 : i32
        %dma_start3A_176 = arith.constant 0 : i32
        %dma_start3A_177 = arith.constant 0 : i32
        %dma_start3A_178 = arith.constant 0 : i32
        %dma_start3A_179 = tpu.memref_slice %arg12[%dma_start3A_176, %dma_start3A_177, %dma_start3A_178] : memref<2x432x64xbf16, #tpu.memory_space<vmem>> -> memref<1x20x64xbf16, #tpu.memory_space<vmem>>
        %dma_start3A_180 = tpu.memref_squeeze %dma_start3A_179 : memref<1x20x64xbf16, #tpu.memory_space<vmem>> -> memref<20x64xbf16, #tpu.memory_space<vmem>>
        %dma_start3A_181 = arith.constant 0 : i32
        %dma_start3A_182 = tpu.memref_slice %arg10[%add3A_175, %dma_start3A_181] : memref<128x20xi32, #tpu.memory_space<vmem>> -> memref<1x20xi32, #tpu.memory_space<vmem>>
        %dma_start3A_183 = tpu.memref_squeeze %dma_start3A_182 : memref<1x20xi32, #tpu.memory_space<vmem>> -> memref<20xi32, #tpu.memory_space<vmem>>
        %dma_start3A_184 = arith.constant 0 : i32
        %dma_start3A_185 = arith.constant 0 : i32
        %dma_start3A_186 = tpu.memref_slice %arg3[%dma_start3A_184, %dma_start3A_185] : memref<100000x64xbf16, #tpu.memory_space<hbm>> -> memref<100000x64xbf16, #tpu.memory_space<hbm>>
        tpu.enqueue_indirect_dma source(%dma_start3A_186 : memref<100000x64xbf16, #tpu.memory_space<hbm>>) target(%dma_start3A_180 : memref<20x64xbf16, #tpu.memory_space<vmem>>) offsets(%dma_start3A_183 : memref<20xi32, #tpu.memory_space<vmem>>) semaphore(%arg14 : memref<!tpu.dma_semaphore, #tpu.memory_space<semaphore_mem>>)
        %dma_start3A_187 = arith.constant 0 : i32
        %dma_start3A_188 = arith.constant 20 : i32
        %dma_start3A_189 = arith.constant 0 : i32
        %dma_start3A_190 = tpu.memref_slice %arg12[%dma_start3A_187, %dma_start3A_188, %dma_start3A_189] : memref<2x432x64xbf16, #tpu.memory_space<vmem>> -> memref<1x400x64xbf16, #tpu.memory_space<vmem>>
        %dma_start3A_191 = tpu.memref_squeeze %dma_start3A_190 : memref<1x400x64xbf16, #tpu.memory_space<vmem>> -> memref<400x64xbf16, #tpu.memory_space<vmem>>
        %dma_start3A_192 = arith.constant 0 : i32
        %dma_start3A_193 = tpu.memref_slice %arg11[%add3A_175, %dma_start3A_192] : memref<128x400xi32, #tpu.memory_space<vmem>> -> memref<1x400xi32, #tpu.memory_space<vmem>>
        %dma_start3A_194 = tpu.memref_squeeze %dma_start3A_193 : memref<1x400xi32, #tpu.memory_space<vmem>> -> memref<400xi32, #tpu.memory_space<vmem>>
        %dma_start3A_195 = arith.constant 0 : i32
        %dma_start3A_196 = arith.constant 0 : i32
        %dma_start3A_197 = tpu.memref_slice %arg3[%dma_start3A_195, %dma_start3A_196] : memref<100000x64xbf16, #tpu.memory_space<hbm>> -> memref<100000x64xbf16, #tpu.memory_space<hbm>>
        tpu.enqueue_indirect_dma source(%dma_start3A_197 : memref<100000x64xbf16, #tpu.memory_space<hbm>>) target(%dma_start3A_191 : memref<400x64xbf16, #tpu.memory_space<vmem>>) offsets(%dma_start3A_194 : memref<400xi32, #tpu.memory_space<vmem>>) semaphore(%arg14 : memref<!tpu.dma_semaphore, #tpu.memory_space<semaphore_mem>>)
      } else {
      }
      %add3A_137 = arith.constant 1 : i32
      %add3A_138 = arith.addi %mul3A_76, %add3A_137 : i32
      %dma_wait3A_139 = arith.constant 1 : i32
      %dma_wait3A_140 = arith.constant 0 : i32
      %dma_wait3A_141 = arith.constant 0 : i32
      %dma_wait3A_142 = tpu.memref_slice %arg12[%dma_wait3A_139, %dma_wait3A_140, %dma_wait3A_141] : memref<2x432x64xbf16, #tpu.memory_space<vmem>> -> memref<1x20x64xbf16, #tpu.memory_space<vmem>>
      %dma_wait3A_143 = tpu.memref_squeeze %dma_wait3A_142 : memref<1x20x64xbf16, #tpu.memory_space<vmem>> -> memref<20x64xbf16, #tpu.memory_space<vmem>>
      %dma_wait3A_144 = arith.constant 0 : i32
      %dma_wait3A_145 = tpu.memref_slice %arg10[%add3A_138, %dma_wait3A_144] : memref<128x20xi32, #tpu.memory_space<vmem>> -> memref<1x20xi32, #tpu.memory_space<vmem>>
      %dma_wait3A_146 = tpu.memref_squeeze %dma_wait3A_145 : memref<1x20xi32, #tpu.memory_space<vmem>> -> memref<20xi32, #tpu.memory_space<vmem>>
      %dma_wait3A_147 = arith.constant 0 : i32
      %dma_wait3A_148 = arith.constant 0 : i32
      %dma_wait3A_149 = tpu.memref_slice %arg3[%dma_wait3A_147, %dma_wait3A_148] : memref<100000x64xbf16, #tpu.memory_space<hbm>> -> memref<100000x64xbf16, #tpu.memory_space<hbm>>
      tpu.wait_indirect_dma semaphore(%arg15 : memref<!tpu.dma_semaphore, #tpu.memory_space<semaphore_mem>>) src(%dma_wait3A_149 : memref<100000x64xbf16, #tpu.memory_space<hbm>>) dst(%dma_wait3A_143 : memref<20x64xbf16, #tpu.memory_space<vmem>>)
      %dma_wait3A_150 = arith.constant 1 : i32
      %dma_wait3A_151 = arith.constant 20 : i32
      %dma_wait3A_152 = arith.constant 0 : i32
      %dma_wait3A_153 = tpu.memref_slice %arg12[%dma_wait3A_150, %dma_wait3A_151, %dma_wait3A_152] : memref<2x432x64xbf16, #tpu.memory_space<vmem>> -> memref<1x400x64xbf16, #tpu.memory_space<vmem>>
      %dma_wait3A_154 = tpu.memref_squeeze %dma_wait3A_153 : memref<1x400x64xbf16, #tpu.memory_space<vmem>> -> memref<400x64xbf16, #tpu.memory_space<vmem>>
      %dma_wait3A_155 = arith.constant 0 : i32
      %dma_wait3A_156 = tpu.memref_slice %arg11[%add3A_138, %dma_wait3A_155] : memref<128x400xi32, #tpu.memory_space<vmem>> -> memref<1x400xi32, #tpu.memory_space<vmem>>
      %dma_wait3A_157 = tpu.memref_squeeze %dma_wait3A_156 : memref<1x400xi32, #tpu.memory_space<vmem>> -> memref<400xi32, #tpu.memory_space<vmem>>
      %dma_wait3A_158 = arith.constant 0 : i32
      %dma_wait3A_159 = arith.constant 0 : i32
      %dma_wait3A_160 = tpu.memref_slice %arg3[%dma_wait3A_158, %dma_wait3A_159] : memref<100000x64xbf16, #tpu.memory_space<hbm>> -> memref<100000x64xbf16, #tpu.memory_space<hbm>>
      tpu.wait_indirect_dma semaphore(%arg15 : memref<!tpu.dma_semaphore, #tpu.memory_space<semaphore_mem>>) src(%dma_wait3A_160 : memref<100000x64xbf16, #tpu.memory_space<hbm>>) dst(%dma_wait3A_154 : memref<400x64xbf16, #tpu.memory_space<vmem>>)
      %add3A_161 = arith.constant 1 : i32
      %add3A_162 = arith.addi %mul3A_76, %add3A_161 : i32
      %broadcast_in_dim3A_163 = vector.broadcast %add3A_162 : i32 to vector<16xi32>
      %gather3A_164 = tpu.vector_load_idx %arg9[%broadcast_in_dim3A_163, %add3A_38] : memref<128x64xf32, #tpu.memory_space<vmem>>[vector<16xi32>, vector<16xi32>], vector<16xf32>,
      %gather3A_165 = tpu.vector_load_idx %arg9[%broadcast_in_dim3A_163, %add3A_47] : memref<128x64xf32, #tpu.memory_space<vmem>>[vector<16xi32>, vector<16xi32>], vector<16xf32>,
      %gather3A_166 = tpu.vector_load_idx %arg9[%broadcast_in_dim3A_163, %add3A_56] : memref<128x64xf32, #tpu.memory_space<vmem>>[vector<16xi32>, vector<16xi32>], vector<16xf32>,
      %gather3A_167 = tpu.vector_load_idx %arg9[%broadcast_in_dim3A_163, %add3A_65] : memref<128x64xf32, #tpu.memory_space<vmem>>[vector<16xi32>, vector<16xi32>], vector<16xf32>,
      %scan3A_168 = arith.constant 0 : i32
      %scan3A_169 = arith.constant 27 : i32
      %scan3A_170 = arith.addi %scan3A_168, %scan3A_169 : i32
      %scan3A_171 = arith.constant 1 : i32
      scf.for %scan3A_174 = %scan3A_168 to %scan3A_170 step %scan3A_171  : i32 {
        %mul3A_175 = arith.constant 1 : i32
        %mul3A_176 = arith.muli %scan3A_174, %mul3A_175 : i32
        %add3A_177 = arith.constant 0 : i32
        %add3A_178 = arith.addi %add3A_177, %mul3A_176 : i32
        %mul3A_179 = arith.constant 16 : i32
        %mul3A_180 = arith.muli %add3A_178, %mul3A_179 : i32
        %broadcast_in_dim3A_181 = arith.constant 0.000000e+00 : f32
        %broadcast_in_dim3A_182 = vector.broadcast %broadcast_in_dim3A_181 : f32 to vector<16xf32>
        %add3A_183 = arith.constant 0 : i32
        %add3A_184 = arith.addi %mul3A_180, %add3A_183 : i32
        %get3A = arith.constant 1 : i32
        %get3A_185 = arith.index_cast %get3A : i32 to index
        %get3A_186 = arith.index_cast %add3A_184 : i32 to index
        %get3A_187 = arith.constant 0 : index
        %get3A_188 = tpu.vector_load %arg12[%get3A_185, %get3A_186, %get3A_187] {strides = array<i32>} : memref<2x432x64xbf16, #tpu.memory_space<vmem>>, vector<32xbf16>,
        %unpack3A = tpu.unpack_subelements %get3A_188, 0 {pack_format = #tpu.pack_format<interleaved>} : vector<32xbf16> -> vector<16xf32>
        %unpack3A_189 = tpu.unpack_subelements %get3A_188, 1 {pack_format = #tpu.pack_format<interleaved>} : vector<32xbf16> -> vector<16xf32>
        %mul3A_190 = arith.mulf %unpack3A, %gather3A_164 : vector<16xf32>
        %mul3A_191 = arith.mulf %unpack3A_189, %gather3A_165 : vector<16xf32>
        %add3A_192 = arith.addf %mul3A_190, %mul3A_191 : vector<16xf32>
        %add3A_193 = arith.constant 0 : i32
        %add3A_194 = arith.addi %mul3A_180, %add3A_193 : i32
        %get3A_195 = arith.constant 1 : i32
        %get3A_196 = arith.index_cast %get3A_195 : i32 to index
        %get3A_197 = arith.index_cast %add3A_194 : i32 to index
        %get3A_198 = arith.constant 32 : index
        %get3A_199 = tpu.vector_load %arg12[%get3A_196, %get3A_197, %get3A_198] {strides = array<i32>} : memref<2x432x64xbf16, #tpu.memory_space<vmem>>, vector<32xbf16>,
        %unpack3A_200 = tpu.unpack_subelements %get3A_199, 0 {pack_format = #tpu.pack_format<interleaved>} : vector<32xbf16> -> vector<16xf32>
        %unpack3A_201 = tpu.unpack_subelements %get3A_199, 1 {pack_format = #tpu.pack_format<interleaved>} : vector<32xbf16> -> vector<16xf32>
        %mul3A_202 = arith.mulf %unpack3A_200, %gather3A_166 : vector<16xf32>
        %mul3A_203 = arith.mulf %unpack3A_201, %gather3A_167 : vector<16xf32>
        %add3A_204 = arith.addf %mul3A_202, %mul3A_203 : vector<16xf32>
        %add3A_205 = arith.addf %add3A_192, %add3A_204 : vector<16xf32>
        %eq3A = arith.constant 0 : i32
        %eq3A_206 = vector.broadcast %eq3A : i32 to vector<16xi32>
        %eq3A_207 = arith.cmpi eq, %iota3A, %eq3A_206 : vector<16xi32>
        %reduce_sum3A = arith.constant true
        %reduce_sum3A_208 = vector.broadcast %reduce_sum3A : i1 to vector<16xi1>
        %reduce_sum3A_209 = tpu.scan <sum>, %add3A_205 masked %reduce_sum3A_208 : vector<16xf32>, vector<16xi1> -> vector<16xf32>
        %reduce_sum3A_210 = vector.extract %reduce_sum3A_209[15] : f32 from vector<16xf32>
        %broadcast_in_dim3A_211 = vector.broadcast %reduce_sum3A_210 : f32 to vector<16xf32>
        %select_n3A = arith.select %eq3A_207, %broadcast_in_dim3A_211, %broadcast_in_dim3A_182 : vector<16xi1>, vector<16xf32>
        %add3A_212 = arith.constant 1 : i32
        %add3A_213 = arith.addi %mul3A_180, %add3A_212 : i32
        %get3A_214 = arith.constant 1 : i32
        %get3A_215 = arith.index_cast %get3A_214 : i32 to index
        %get3A_216 = arith.index_cast %add3A_213 : i32 to index
        %get3A_217 = arith.constant 0 : index
        %get3A_218 = tpu.vector_load %arg12[%get3A_215, %get3A_216, %get3A_217] {strides = array<i32>} : memref<2x432x64xbf16, #tpu.memory_space<vmem>>, vector<32xbf16>,
        %unpack3A_219 = tpu.unpack_subelements %get3A_218, 0 {pack_format = #tpu.pack_format<interleaved>} : vector<32xbf16> -> vector<16xf32>
        %unpack3A_220 = tpu.unpack_subelements %get3A_218, 1 {pack_format = #tpu.pack_format<interleaved>} : vector<32xbf16> -> vector<16xf32>
        %mul3A_221 = arith.mulf %unpack3A_219, %gather3A_164 : vector<16xf32>
        %mul3A_222 = arith.mulf %unpack3A_220, %gather3A_165 : vector<16xf32>
        %add3A_223 = arith.addf %mul3A_221, %mul3A_222 : vector<16xf32>
        %add3A_224 = arith.constant 1 : i32
        %add3A_225 = arith.addi %mul3A_180, %add3A_224 : i32
        %get3A_226 = arith.constant 1 : i32
        %get3A_227 = arith.index_cast %get3A_226 : i32 to index
        %get3A_228 = arith.index_cast %add3A_225 : i32 to index
        %get3A_229 = arith.constant 32 : index
        %get3A_230 = tpu.vector_load %arg12[%get3A_227, %get3A_228, %get3A_229] {strides = array<i32>} : memref<2x432x64xbf16, #tpu.memory_space<vmem>>, vector<32xbf16>,
        %unpack3A_231 = tpu.unpack_subelements %get3A_230, 0 {pack_format = #tpu.pack_format<interleaved>} : vector<32xbf16> -> vector<16xf32>
        %unpack3A_232 = tpu.unpack_subelements %get3A_230, 1 {pack_format = #tpu.pack_format<interleaved>} : vector<32xbf16> -> vector<16xf32>
        %mul3A_233 = arith.mulf %unpack3A_231, %gather3A_166 : vector<16xf32>
        %mul3A_234 = arith.mulf %unpack3A_232, %gather3A_167 : vector<16xf32>
        %add3A_235 = arith.addf %mul3A_233, %mul3A_234 : vector<16xf32>
        %add3A_236 = arith.addf %add3A_223, %add3A_235 : vector<16xf32>
        %eq3A_237 = arith.constant 1 : i32
        %eq3A_238 = vector.broadcast %eq3A_237 : i32 to vector<16xi32>
        %eq3A_239 = arith.cmpi eq, %iota3A, %eq3A_238 : vector<16xi32>
        %reduce_sum3A_240 = arith.constant true
        %reduce_sum3A_241 = vector.broadcast %reduce_sum3A_240 : i1 to vector<16xi1>
        %reduce_sum3A_242 = tpu.scan <sum>, %add3A_236 masked %reduce_sum3A_241 : vector<16xf32>, vector<16xi1> -> vector<16xf32>
        %reduce_sum3A_243 = vector.extract %reduce_sum3A_242[15] : f32 from vector<16xf32>
        %broadcast_in_dim3A_244 = vector.broadcast %reduce_sum3A_243 : f32 to vector<16xf32>
        %select_n3A_245 = arith.select %eq3A_239, %broadcast_in_dim3A_244, %select_n3A : vector<16xi1>, vector<16xf32>
        %add3A_246 = arith.constant 2 : i32
        %add3A_247 = arith.addi %mul3A_180, %add3A_246 : i32
        %get3A_248 = arith.constant 1 : i32
        %get3A_249 = arith.index_cast %get3A_248 : i32 to index
        %get3A_250 = arith.index_cast %add3A_247 : i32 to index
        %get3A_251 = arith.constant 0 : index
        %get3A_252 = tpu.vector_load %arg12[%get3A_249, %get3A_250, %get3A_251] {strides = array<i32>} : memref<2x432x64xbf16, #tpu.memory_space<vmem>>, vector<32xbf16>,
        %unpack3A_253 = tpu.unpack_subelements %get3A_252, 0 {pack_format = #tpu.pack_format<interleaved>} : vector<32xbf16> -> vector<16xf32>
        %unpack3A_254 = tpu.unpack_subelements %get3A_252, 1 {pack_format = #tpu.pack_format<interleaved>} : vector<32xbf16> -> vector<16xf32>
        %mul3A_255 = arith.mulf %unpack3A_253, %gather3A_164 : vector<16xf32>
        %mul3A_256 = arith.mulf %unpack3A_254, %gather3A_165 : vector<16xf32>
        %add3A_257 = arith.addf %mul3A_255, %mul3A_256 : vector<16xf32>
        %add3A_258 = arith.constant 2 : i32
        %add3A_259 = arith.addi %mul3A_180, %add3A_258 : i32
        %get3A_260 = arith.constant 1 : i32
        %get3A_261 = arith.index_cast %get3A_260 : i32 to index
        %get3A_262 = arith.index_cast %add3A_259 : i32 to index
        %get3A_263 = arith.constant 32 : index
        %get3A_264 = tpu.vector_load %arg12[%get3A_261, %get3A_262, %get3A_263] {strides = array<i32>} : memref<2x432x64xbf16, #tpu.memory_space<vmem>>, vector<32xbf16>,
        %unpack3A_265 = tpu.unpack_subelements %get3A_264, 0 {pack_format = #tpu.pack_format<interleaved>} : vector<32xbf16> -> vector<16xf32>
        %unpack3A_266 = tpu.unpack_subelements %get3A_264, 1 {pack_format = #tpu.pack_format<interleaved>} : vector<32xbf16> -> vector<16xf32>
        %mul3A_267 = arith.mulf %unpack3A_265, %gather3A_166 : vector<16xf32>
        %mul3A_268 = arith.mulf %unpack3A_266, %gather3A_167 : vector<16xf32>
        %add3A_269 = arith.addf %mul3A_267, %mul3A_268 : vector<16xf32>
        %add3A_270 = arith.addf %add3A_257, %add3A_269 : vector<16xf32>
        %eq3A_271 = arith.constant 2 : i32
        %eq3A_272 = vector.broadcast %eq3A_271 : i32 to vector<16xi32>
        %eq3A_273 = arith.cmpi eq, %iota3A, %eq3A_272 : vector<16xi32>
        %reduce_sum3A_274 = arith.constant true
        %reduce_sum3A_275 = vector.broadcast %reduce_sum3A_274 : i1 to vector<16xi1>
        %reduce_sum3A_276 = tpu.scan <sum>, %add3A_270 masked %reduce_sum3A_275 : vector<16xf32>, vector<16xi1> -> vector<16xf32>
        %reduce_sum3A_277 = vector.extract %reduce_sum3A_276[15] : f32 from vector<16xf32>
        %broadcast_in_dim3A_278 = vector.broadcast %reduce_sum3A_277 : f32 to vector<16xf32>
        %select_n3A_279 = arith.select %eq3A_273, %broadcast_in_dim3A_278, %select_n3A_245 : vector<16xi1>, vector<16xf32>
        %add3A_280 = arith.constant 3 : i32
        %add3A_281 = arith.addi %mul3A_180, %add3A_280 : i32
        %get3A_282 = arith.constant 1 : i32
        %get3A_283 = arith.index_cast %get3A_282 : i32 to index
        %get3A_284 = arith.index_cast %add3A_281 : i32 to index
        %get3A_285 = arith.constant 0 : index
        %get3A_286 = tpu.vector_load %arg12[%get3A_283, %get3A_284, %get3A_285] {strides = array<i32>} : memref<2x432x64xbf16, #tpu.memory_space<vmem>>, vector<32xbf16>,
        %unpack3A_287 = tpu.unpack_subelements %get3A_286, 0 {pack_format = #tpu.pack_format<interleaved>} : vector<32xbf16> -> vector<16xf32>
        %unpack3A_288 = tpu.unpack_subelements %get3A_286, 1 {pack_format = #tpu.pack_format<interleaved>} : vector<32xbf16> -> vector<16xf32>
        %mul3A_289 = arith.mulf %unpack3A_287, %gather3A_164 : vector<16xf32>
        %mul3A_290 = arith.mulf %unpack3A_288, %gather3A_165 : vector<16xf32>
        %add3A_291 = arith.addf %mul3A_289, %mul3A_290 : vector<16xf32>
        %add3A_292 = arith.constant 3 : i32
        %add3A_293 = arith.addi %mul3A_180, %add3A_292 : i32
        %get3A_294 = arith.constant 1 : i32
        %get3A_295 = arith.index_cast %get3A_294 : i32 to index
        %get3A_296 = arith.index_cast %add3A_293 : i32 to index
        %get3A_297 = arith.constant 32 : index
        %get3A_298 = tpu.vector_load %arg12[%get3A_295, %get3A_296, %get3A_297] {strides = array<i32>} : memref<2x432x64xbf16, #tpu.memory_space<vmem>>, vector<32xbf16>,
        %unpack3A_299 = tpu.unpack_subelements %get3A_298, 0 {pack_format = #tpu.pack_format<interleaved>} : vector<32xbf16> -> vector<16xf32>
        %unpack3A_300 = tpu.unpack_subelements %get3A_298, 1 {pack_format = #tpu.pack_format<interleaved>} : vector<32xbf16> -> vector<16xf32>
        %mul3A_301 = arith.mulf %unpack3A_299, %gather3A_166 : vector<16xf32>
        %mul3A_302 = arith.mulf %unpack3A_300, %gather3A_167 : vector<16xf32>
        %add3A_303 = arith.addf %mul3A_301, %mul3A_302 : vector<16xf32>
        %add3A_304 = arith.addf %add3A_291, %add3A_303 : vector<16xf32>
        %eq3A_305 = arith.constant 3 : i32
        %eq3A_306 = vector.broadcast %eq3A_305 : i32 to vector<16xi32>
        %eq3A_307 = arith.cmpi eq, %iota3A, %eq3A_306 : vector<16xi32>
        %reduce_sum3A_308 = arith.constant true
        %reduce_sum3A_309 = vector.broadcast %reduce_sum3A_308 : i1 to vector<16xi1>
        %reduce_sum3A_310 = tpu.scan <sum>, %add3A_304 masked %reduce_sum3A_309 : vector<16xf32>, vector<16xi1> -> vector<16xf32>
        %reduce_sum3A_311 = vector.extract %reduce_sum3A_310[15] : f32 from vector<16xf32>
        %broadcast_in_dim3A_312 = vector.broadcast %reduce_sum3A_311 : f32 to vector<16xf32>
        %select_n3A_313 = arith.select %eq3A_307, %broadcast_in_dim3A_312, %select_n3A_279 : vector<16xi1>, vector<16xf32>
        %add3A_314 = arith.constant 4 : i32
        %add3A_315 = arith.addi %mul3A_180, %add3A_314 : i32
        %get3A_316 = arith.constant 1 : i32
        %get3A_317 = arith.index_cast %get3A_316 : i32 to index
        %get3A_318 = arith.index_cast %add3A_315 : i32 to index
        %get3A_319 = arith.constant 0 : index
        %get3A_320 = tpu.vector_load %arg12[%get3A_317, %get3A_318, %get3A_319] {strides = array<i32>} : memref<2x432x64xbf16, #tpu.memory_space<vmem>>, vector<32xbf16>,
        %unpack3A_321 = tpu.unpack_subelements %get3A_320, 0 {pack_format = #tpu.pack_format<interleaved>} : vector<32xbf16> -> vector<16xf32>
        %unpack3A_322 = tpu.unpack_subelements %get3A_320, 1 {pack_format = #tpu.pack_format<interleaved>} : vector<32xbf16> -> vector<16xf32>
        %mul3A_323 = arith.mulf %unpack3A_321, %gather3A_164 : vector<16xf32>
        %mul3A_324 = arith.mulf %unpack3A_322, %gather3A_165 : vector<16xf32>
        %add3A_325 = arith.addf %mul3A_323, %mul3A_324 : vector<16xf32>
        %add3A_326 = arith.constant 4 : i32
        %add3A_327 = arith.addi %mul3A_180, %add3A_326 : i32
        %get3A_328 = arith.constant 1 : i32
        %get3A_329 = arith.index_cast %get3A_328 : i32 to index
        %get3A_330 = arith.index_cast %add3A_327 : i32 to index
        %get3A_331 = arith.constant 32 : index
        %get3A_332 = tpu.vector_load %arg12[%get3A_329, %get3A_330, %get3A_331] {strides = array<i32>} : memref<2x432x64xbf16, #tpu.memory_space<vmem>>, vector<32xbf16>,
        %unpack3A_333 = tpu.unpack_subelements %get3A_332, 0 {pack_format = #tpu.pack_format<interleaved>} : vector<32xbf16> -> vector<16xf32>
        %unpack3A_334 = tpu.unpack_subelements %get3A_332, 1 {pack_format = #tpu.pack_format<interleaved>} : vector<32xbf16> -> vector<16xf32>
        %mul3A_335 = arith.mulf %unpack3A_333, %gather3A_166 : vector<16xf32>
        %mul3A_336 = arith.mulf %unpack3A_334, %gather3A_167 : vector<16xf32>
        %add3A_337 = arith.addf %mul3A_335, %mul3A_336 : vector<16xf32>
        %add3A_338 = arith.addf %add3A_325, %add3A_337 : vector<16xf32>
        %eq3A_339 = arith.constant 4 : i32
        %eq3A_340 = vector.broadcast %eq3A_339 : i32 to vector<16xi32>
        %eq3A_341 = arith.cmpi eq, %iota3A, %eq3A_340 : vector<16xi32>
        %reduce_sum3A_342 = arith.constant true
        %reduce_sum3A_343 = vector.broadcast %reduce_sum3A_342 : i1 to vector<16xi1>
        %reduce_sum3A_344 = tpu.scan <sum>, %add3A_338 masked %reduce_sum3A_343 : vector<16xf32>, vector<16xi1> -> vector<16xf32>
        %reduce_sum3A_345 = vector.extract %reduce_sum3A_344[15] : f32 from vector<16xf32>
        %broadcast_in_dim3A_346 = vector.broadcast %reduce_sum3A_345 : f32 to vector<16xf32>
        %select_n3A_347 = arith.select %eq3A_341, %broadcast_in_dim3A_346, %select_n3A_313 : vector<16xi1>, vector<16xf32>
        %add3A_348 = arith.constant 5 : i32
        %add3A_349 = arith.addi %mul3A_180, %add3A_348 : i32
        %get3A_350 = arith.constant 1 : i32
        %get3A_351 = arith.index_cast %get3A_350 : i32 to index
        %get3A_352 = arith.index_cast %add3A_349 : i32 to index
        %get3A_353 = arith.constant 0 : index
        %get3A_354 = tpu.vector_load %arg12[%get3A_351, %get3A_352, %get3A_353] {strides = array<i32>} : memref<2x432x64xbf16, #tpu.memory_space<vmem>>, vector<32xbf16>,
        %unpack3A_355 = tpu.unpack_subelements %get3A_354, 0 {pack_format = #tpu.pack_format<interleaved>} : vector<32xbf16> -> vector<16xf32>
        %unpack3A_356 = tpu.unpack_subelements %get3A_354, 1 {pack_format = #tpu.pack_format<interleaved>} : vector<32xbf16> -> vector<16xf32>
        %mul3A_357 = arith.mulf %unpack3A_355, %gather3A_164 : vector<16xf32>
        %mul3A_358 = arith.mulf %unpack3A_356, %gather3A_165 : vector<16xf32>
        %add3A_359 = arith.addf %mul3A_357, %mul3A_358 : vector<16xf32>
        %add3A_360 = arith.constant 5 : i32
        %add3A_361 = arith.addi %mul3A_180, %add3A_360 : i32
        %get3A_362 = arith.constant 1 : i32
        %get3A_363 = arith.index_cast %get3A_362 : i32 to index
        %get3A_364 = arith.index_cast %add3A_361 : i32 to index
        %get3A_365 = arith.constant 32 : index
        %get3A_366 = tpu.vector_load %arg12[%get3A_363, %get3A_364, %get3A_365] {strides = array<i32>} : memref<2x432x64xbf16, #tpu.memory_space<vmem>>, vector<32xbf16>,
        %unpack3A_367 = tpu.unpack_subelements %get3A_366, 0 {pack_format = #tpu.pack_format<interleaved>} : vector<32xbf16> -> vector<16xf32>
        %unpack3A_368 = tpu.unpack_subelements %get3A_366, 1 {pack_format = #tpu.pack_format<interleaved>} : vector<32xbf16> -> vector<16xf32>
        %mul3A_369 = arith.mulf %unpack3A_367, %gather3A_166 : vector<16xf32>
        %mul3A_370 = arith.mulf %unpack3A_368, %gather3A_167 : vector<16xf32>
        %add3A_371 = arith.addf %mul3A_369, %mul3A_370 : vector<16xf32>
        %add3A_372 = arith.addf %add3A_359, %add3A_371 : vector<16xf32>
        %eq3A_373 = arith.constant 5 : i32
        %eq3A_374 = vector.broadcast %eq3A_373 : i32 to vector<16xi32>
        %eq3A_375 = arith.cmpi eq, %iota3A, %eq3A_374 : vector<16xi32>
        %reduce_sum3A_376 = arith.constant true
        %reduce_sum3A_377 = vector.broadcast %reduce_sum3A_376 : i1 to vector<16xi1>
        %reduce_sum3A_378 = tpu.scan <sum>, %add3A_372 masked %reduce_sum3A_377 : vector<16xf32>, vector<16xi1> -> vector<16xf32>
        %reduce_sum3A_379 = vector.extract %reduce_sum3A_378[15] : f32 from vector<16xf32>
        %broadcast_in_dim3A_380 = vector.broadcast %reduce_sum3A_379 : f32 to vector<16xf32>
        %select_n3A_381 = arith.select %eq3A_375, %broadcast_in_dim3A_380, %select_n3A_347 : vector<16xi1>, vector<16xf32>
        %add3A_382 = arith.constant 6 : i32
        %add3A_383 = arith.addi %mul3A_180, %add3A_382 : i32
        %get3A_384 = arith.constant 1 : i32
        %get3A_385 = arith.index_cast %get3A_384 : i32 to index
        %get3A_386 = arith.index_cast %add3A_383 : i32 to index
        %get3A_387 = arith.constant 0 : index
        %get3A_388 = tpu.vector_load %arg12[%get3A_385, %get3A_386, %get3A_387] {strides = array<i32>} : memref<2x432x64xbf16, #tpu.memory_space<vmem>>, vector<32xbf16>,
        %unpack3A_389 = tpu.unpack_subelements %get3A_388, 0 {pack_format = #tpu.pack_format<interleaved>} : vector<32xbf16> -> vector<16xf32>
        %unpack3A_390 = tpu.unpack_subelements %get3A_388, 1 {pack_format = #tpu.pack_format<interleaved>} : vector<32xbf16> -> vector<16xf32>
        %mul3A_391 = arith.mulf %unpack3A_389, %gather3A_164 : vector<16xf32>
        %mul3A_392 = arith.mulf %unpack3A_390, %gather3A_165 : vector<16xf32>
        %add3A_393 = arith.addf %mul3A_391, %mul3A_392 : vector<16xf32>
        %add3A_394 = arith.constant 6 : i32
        %add3A_395 = arith.addi %mul3A_180, %add3A_394 : i32
        %get3A_396 = arith.constant 1 : i32
        %get3A_397 = arith.index_cast %get3A_396 : i32 to index
        %get3A_398 = arith.index_cast %add3A_395 : i32 to index
        %get3A_399 = arith.constant 32 : index
        %get3A_400 = tpu.vector_load %arg12[%get3A_397, %get3A_398, %get3A_399] {strides = array<i32>} : memref<2x432x64xbf16, #tpu.memory_space<vmem>>, vector<32xbf16>,
        %unpack3A_401 = tpu.unpack_subelements %get3A_400, 0 {pack_format = #tpu.pack_format<interleaved>} : vector<32xbf16> -> vector<16xf32>
        %unpack3A_402 = tpu.unpack_subelements %get3A_400, 1 {pack_format = #tpu.pack_format<interleaved>} : vector<32xbf16> -> vector<16xf32>
        %mul3A_403 = arith.mulf %unpack3A_401, %gather3A_166 : vector<16xf32>
        %mul3A_404 = arith.mulf %unpack3A_402, %gather3A_167 : vector<16xf32>
        %add3A_405 = arith.addf %mul3A_403, %mul3A_404 : vector<16xf32>
        %add3A_406 = arith.addf %add3A_393, %add3A_405 : vector<16xf32>
        %eq3A_407 = arith.constant 6 : i32
        %eq3A_408 = vector.broadcast %eq3A_407 : i32 to vector<16xi32>
        %eq3A_409 = arith.cmpi eq, %iota3A, %eq3A_408 : vector<16xi32>
        %reduce_sum3A_410 = arith.constant true
        %reduce_sum3A_411 = vector.broadcast %reduce_sum3A_410 : i1 to vector<16xi1>
        %reduce_sum3A_412 = tpu.scan <sum>, %add3A_406 masked %reduce_sum3A_411 : vector<16xf32>, vector<16xi1> -> vector<16xf32>
        %reduce_sum3A_413 = vector.extract %reduce_sum3A_412[15] : f32 from vector<16xf32>
        %broadcast_in_dim3A_414 = vector.broadcast %reduce_sum3A_413 : f32 to vector<16xf32>
        %select_n3A_415 = arith.select %eq3A_409, %broadcast_in_dim3A_414, %select_n3A_381 : vector<16xi1>, vector<16xf32>
        %add3A_416 = arith.constant 7 : i32
        %add3A_417 = arith.addi %mul3A_180, %add3A_416 : i32
        %get3A_418 = arith.constant 1 : i32
        %get3A_419 = arith.index_cast %get3A_418 : i32 to index
        %get3A_420 = arith.index_cast %add3A_417 : i32 to index
        %get3A_421 = arith.constant 0 : index
        %get3A_422 = tpu.vector_load %arg12[%get3A_419, %get3A_420, %get3A_421] {strides = array<i32>} : memref<2x432x64xbf16, #tpu.memory_space<vmem>>, vector<32xbf16>,
        %unpack3A_423 = tpu.unpack_subelements %get3A_422, 0 {pack_format = #tpu.pack_format<interleaved>} : vector<32xbf16> -> vector<16xf32>
        %unpack3A_424 = tpu.unpack_subelements %get3A_422, 1 {pack_format = #tpu.pack_format<interleaved>} : vector<32xbf16> -> vector<16xf32>
        %mul3A_425 = arith.mulf %unpack3A_423, %gather3A_164 : vector<16xf32>
        %mul3A_426 = arith.mulf %unpack3A_424, %gather3A_165 : vector<16xf32>
        %add3A_427 = arith.addf %mul3A_425, %mul3A_426 : vector<16xf32>
        %add3A_428 = arith.constant 7 : i32
        %add3A_429 = arith.addi %mul3A_180, %add3A_428 : i32
        %get3A_430 = arith.constant 1 : i32
        %get3A_431 = arith.index_cast %get3A_430 : i32 to index
        %get3A_432 = arith.index_cast %add3A_429 : i32 to index
        %get3A_433 = arith.constant 32 : index
        %get3A_434 = tpu.vector_load %arg12[%get3A_431, %get3A_432, %get3A_433] {strides = array<i32>} : memref<2x432x64xbf16, #tpu.memory_space<vmem>>, vector<32xbf16>,
        %unpack3A_435 = tpu.unpack_subelements %get3A_434, 0 {pack_format = #tpu.pack_format<interleaved>} : vector<32xbf16> -> vector<16xf32>
        %unpack3A_436 = tpu.unpack_subelements %get3A_434, 1 {pack_format = #tpu.pack_format<interleaved>} : vector<32xbf16> -> vector<16xf32>
        %mul3A_437 = arith.mulf %unpack3A_435, %gather3A_166 : vector<16xf32>
        %mul3A_438 = arith.mulf %unpack3A_436, %gather3A_167 : vector<16xf32>
        %add3A_439 = arith.addf %mul3A_437, %mul3A_438 : vector<16xf32>
        %add3A_440 = arith.addf %add3A_427, %add3A_439 : vector<16xf32>
        %eq3A_441 = arith.constant 7 : i32
        %eq3A_442 = vector.broadcast %eq3A_441 : i32 to vector<16xi32>
        %eq3A_443 = arith.cmpi eq, %iota3A, %eq3A_442 : vector<16xi32>
        %reduce_sum3A_444 = arith.constant true
        %reduce_sum3A_445 = vector.broadcast %reduce_sum3A_444 : i1 to vector<16xi1>
        %reduce_sum3A_446 = tpu.scan <sum>, %add3A_440 masked %reduce_sum3A_445 : vector<16xf32>, vector<16xi1> -> vector<16xf32>
        %reduce_sum3A_447 = vector.extract %reduce_sum3A_446[15] : f32 from vector<16xf32>
        %broadcast_in_dim3A_448 = vector.broadcast %reduce_sum3A_447 : f32 to vector<16xf32>
        %select_n3A_449 = arith.select %eq3A_443, %broadcast_in_dim3A_448, %select_n3A_415 : vector<16xi1>, vector<16xf32>
        %add3A_450 = arith.constant 8 : i32
        %add3A_451 = arith.addi %mul3A_180, %add3A_450 : i32
        %get3A_452 = arith.constant 1 : i32
        %get3A_453 = arith.index_cast %get3A_452 : i32 to index
        %get3A_454 = arith.index_cast %add3A_451 : i32 to index
        %get3A_455 = arith.constant 0 : index
        %get3A_456 = tpu.vector_load %arg12[%get3A_453, %get3A_454, %get3A_455] {strides = array<i32>} : memref<2x432x64xbf16, #tpu.memory_space<vmem>>, vector<32xbf16>,
        %unpack3A_457 = tpu.unpack_subelements %get3A_456, 0 {pack_format = #tpu.pack_format<interleaved>} : vector<32xbf16> -> vector<16xf32>
        %unpack3A_458 = tpu.unpack_subelements %get3A_456, 1 {pack_format = #tpu.pack_format<interleaved>} : vector<32xbf16> -> vector<16xf32>
        %mul3A_459 = arith.mulf %unpack3A_457, %gather3A_164 : vector<16xf32>
        %mul3A_460 = arith.mulf %unpack3A_458, %gather3A_165 : vector<16xf32>
        %add3A_461 = arith.addf %mul3A_459, %mul3A_460 : vector<16xf32>
        %add3A_462 = arith.constant 8 : i32
        %add3A_463 = arith.addi %mul3A_180, %add3A_462 : i32
        %get3A_464 = arith.constant 1 : i32
        %get3A_465 = arith.index_cast %get3A_464 : i32 to index
        %get3A_466 = arith.index_cast %add3A_463 : i32 to index
        %get3A_467 = arith.constant 32 : index
        %get3A_468 = tpu.vector_load %arg12[%get3A_465, %get3A_466, %get3A_467] {strides = array<i32>} : memref<2x432x64xbf16, #tpu.memory_space<vmem>>, vector<32xbf16>,
        %unpack3A_469 = tpu.unpack_subelements %get3A_468, 0 {pack_format = #tpu.pack_format<interleaved>} : vector<32xbf16> -> vector<16xf32>
        %unpack3A_470 = tpu.unpack_subelements %get3A_468, 1 {pack_format = #tpu.pack_format<interleaved>} : vector<32xbf16> -> vector<16xf32>
        %mul3A_471 = arith.mulf %unpack3A_469, %gather3A_166 : vector<16xf32>
        %mul3A_472 = arith.mulf %unpack3A_470, %gather3A_167 : vector<16xf32>
        %add3A_473 = arith.addf %mul3A_471, %mul3A_472 : vector<16xf32>
        %add3A_474 = arith.addf %add3A_461, %add3A_473 : vector<16xf32>
        %eq3A_475 = arith.constant 8 : i32
        %eq3A_476 = vector.broadcast %eq3A_475 : i32 to vector<16xi32>
        %eq3A_477 = arith.cmpi eq, %iota3A, %eq3A_476 : vector<16xi32>
        %reduce_sum3A_478 = arith.constant true
        %reduce_sum3A_479 = vector.broadcast %reduce_sum3A_478 : i1 to vector<16xi1>
        %reduce_sum3A_480 = tpu.scan <sum>, %add3A_474 masked %reduce_sum3A_479 : vector<16xf32>, vector<16xi1> -> vector<16xf32>
        %reduce_sum3A_481 = vector.extract %reduce_sum3A_480[15] : f32 from vector<16xf32>
        %broadcast_in_dim3A_482 = vector.broadcast %reduce_sum3A_481 : f32 to vector<16xf32>
        %select_n3A_483 = arith.select %eq3A_477, %broadcast_in_dim3A_482, %select_n3A_449 : vector<16xi1>, vector<16xf32>
        %add3A_484 = arith.constant 9 : i32
        %add3A_485 = arith.addi %mul3A_180, %add3A_484 : i32
        %get3A_486 = arith.constant 1 : i32
        %get3A_487 = arith.index_cast %get3A_486 : i32 to index
        %get3A_488 = arith.index_cast %add3A_485 : i32 to index
        %get3A_489 = arith.constant 0 : index
        %get3A_490 = tpu.vector_load %arg12[%get3A_487, %get3A_488, %get3A_489] {strides = array<i32>} : memref<2x432x64xbf16, #tpu.memory_space<vmem>>, vector<32xbf16>,
        %unpack3A_491 = tpu.unpack_subelements %get3A_490, 0 {pack_format = #tpu.pack_format<interleaved>} : vector<32xbf16> -> vector<16xf32>
        %unpack3A_492 = tpu.unpack_subelements %get3A_490, 1 {pack_format = #tpu.pack_format<interleaved>} : vector<32xbf16> -> vector<16xf32>
        %mul3A_493 = arith.mulf %unpack3A_491, %gather3A_164 : vector<16xf32>
        %mul3A_494 = arith.mulf %unpack3A_492, %gather3A_165 : vector<16xf32>
        %add3A_495 = arith.addf %mul3A_493, %mul3A_494 : vector<16xf32>
        %add3A_496 = arith.constant 9 : i32
        %add3A_497 = arith.addi %mul3A_180, %add3A_496 : i32
        %get3A_498 = arith.constant 1 : i32
        %get3A_499 = arith.index_cast %get3A_498 : i32 to index
        %get3A_500 = arith.index_cast %add3A_497 : i32 to index
        %get3A_501 = arith.constant 32 : index
        %get3A_502 = tpu.vector_load %arg12[%get3A_499, %get3A_500, %get3A_501] {strides = array<i32>} : memref<2x432x64xbf16, #tpu.memory_space<vmem>>, vector<32xbf16>,
        %unpack3A_503 = tpu.unpack_subelements %get3A_502, 0 {pack_format = #tpu.pack_format<interleaved>} : vector<32xbf16> -> vector<16xf32>
        %unpack3A_504 = tpu.unpack_subelements %get3A_502, 1 {pack_format = #tpu.pack_format<interleaved>} : vector<32xbf16> -> vector<16xf32>
        %mul3A_505 = arith.mulf %unpack3A_503, %gather3A_166 : vector<16xf32>
        %mul3A_506 = arith.mulf %unpack3A_504, %gather3A_167 : vector<16xf32>
        %add3A_507 = arith.addf %mul3A_505, %mul3A_506 : vector<16xf32>
        %add3A_508 = arith.addf %add3A_495, %add3A_507 : vector<16xf32>
        %eq3A_509 = arith.constant 9 : i32
        %eq3A_510 = vector.broadcast %eq3A_509 : i32 to vector<16xi32>
        %eq3A_511 = arith.cmpi eq, %iota3A, %eq3A_510 : vector<16xi32>
        %reduce_sum3A_512 = arith.constant true
        %reduce_sum3A_513 = vector.broadcast %reduce_sum3A_512 : i1 to vector<16xi1>
        %reduce_sum3A_514 = tpu.scan <sum>, %add3A_508 masked %reduce_sum3A_513 : vector<16xf32>, vector<16xi1> -> vector<16xf32>
        %reduce_sum3A_515 = vector.extract %reduce_sum3A_514[15] : f32 from vector<16xf32>
        %broadcast_in_dim3A_516 = vector.broadcast %reduce_sum3A_515 : f32 to vector<16xf32>
        %select_n3A_517 = arith.select %eq3A_511, %broadcast_in_dim3A_516, %select_n3A_483 : vector<16xi1>, vector<16xf32>
        %add3A_518 = arith.constant 10 : i32
        %add3A_519 = arith.addi %mul3A_180, %add3A_518 : i32
        %get3A_520 = arith.constant 1 : i32
        %get3A_521 = arith.index_cast %get3A_520 : i32 to index
        %get3A_522 = arith.index_cast %add3A_519 : i32 to index
        %get3A_523 = arith.constant 0 : index
        %get3A_524 = tpu.vector_load %arg12[%get3A_521, %get3A_522, %get3A_523] {strides = array<i32>} : memref<2x432x64xbf16, #tpu.memory_space<vmem>>, vector<32xbf16>,
        %unpack3A_525 = tpu.unpack_subelements %get3A_524, 0 {pack_format = #tpu.pack_format<interleaved>} : vector<32xbf16> -> vector<16xf32>
        %unpack3A_526 = tpu.unpack_subelements %get3A_524, 1 {pack_format = #tpu.pack_format<interleaved>} : vector<32xbf16> -> vector<16xf32>
        %mul3A_527 = arith.mulf %unpack3A_525, %gather3A_164 : vector<16xf32>
        %mul3A_528 = arith.mulf %unpack3A_526, %gather3A_165 : vector<16xf32>
        %add3A_529 = arith.addf %mul3A_527, %mul3A_528 : vector<16xf32>
        %add3A_530 = arith.constant 10 : i32
        %add3A_531 = arith.addi %mul3A_180, %add3A_530 : i32
        %get3A_532 = arith.constant 1 : i32
        %get3A_533 = arith.index_cast %get3A_532 : i32 to index
        %get3A_534 = arith.index_cast %add3A_531 : i32 to index
        %get3A_535 = arith.constant 32 : index
        %get3A_536 = tpu.vector_load %arg12[%get3A_533, %get3A_534, %get3A_535] {strides = array<i32>} : memref<2x432x64xbf16, #tpu.memory_space<vmem>>, vector<32xbf16>,
        %unpack3A_537 = tpu.unpack_subelements %get3A_536, 0 {pack_format = #tpu.pack_format<interleaved>} : vector<32xbf16> -> vector<16xf32>
        %unpack3A_538 = tpu.unpack_subelements %get3A_536, 1 {pack_format = #tpu.pack_format<interleaved>} : vector<32xbf16> -> vector<16xf32>
        %mul3A_539 = arith.mulf %unpack3A_537, %gather3A_166 : vector<16xf32>
        %mul3A_540 = arith.mulf %unpack3A_538, %gather3A_167 : vector<16xf32>
        %add3A_541 = arith.addf %mul3A_539, %mul3A_540 : vector<16xf32>
        %add3A_542 = arith.addf %add3A_529, %add3A_541 : vector<16xf32>
        %eq3A_543 = arith.constant 10 : i32
        %eq3A_544 = vector.broadcast %eq3A_543 : i32 to vector<16xi32>
        %eq3A_545 = arith.cmpi eq, %iota3A, %eq3A_544 : vector<16xi32>
        %reduce_sum3A_546 = arith.constant true
        %reduce_sum3A_547 = vector.broadcast %reduce_sum3A_546 : i1 to vector<16xi1>
        %reduce_sum3A_548 = tpu.scan <sum>, %add3A_542 masked %reduce_sum3A_547 : vector<16xf32>, vector<16xi1> -> vector<16xf32>
        %reduce_sum3A_549 = vector.extract %reduce_sum3A_548[15] : f32 from vector<16xf32>
        %broadcast_in_dim3A_550 = vector.broadcast %reduce_sum3A_549 : f32 to vector<16xf32>
        %select_n3A_551 = arith.select %eq3A_545, %broadcast_in_dim3A_550, %select_n3A_517 : vector<16xi1>, vector<16xf32>
        %add3A_552 = arith.constant 11 : i32
        %add3A_553 = arith.addi %mul3A_180, %add3A_552 : i32
        %get3A_554 = arith.constant 1 : i32
        %get3A_555 = arith.index_cast %get3A_554 : i32 to index
        %get3A_556 = arith.index_cast %add3A_553 : i32 to index
        %get3A_557 = arith.constant 0 : index
        %get3A_558 = tpu.vector_load %arg12[%get3A_555, %get3A_556, %get3A_557] {strides = array<i32>} : memref<2x432x64xbf16, #tpu.memory_space<vmem>>, vector<32xbf16>,
        %unpack3A_559 = tpu.unpack_subelements %get3A_558, 0 {pack_format = #tpu.pack_format<interleaved>} : vector<32xbf16> -> vector<16xf32>
        %unpack3A_560 = tpu.unpack_subelements %get3A_558, 1 {pack_format = #tpu.pack_format<interleaved>} : vector<32xbf16> -> vector<16xf32>
        %mul3A_561 = arith.mulf %unpack3A_559, %gather3A_164 : vector<16xf32>
        %mul3A_562 = arith.mulf %unpack3A_560, %gather3A_165 : vector<16xf32>
        %add3A_563 = arith.addf %mul3A_561, %mul3A_562 : vector<16xf32>
        %add3A_564 = arith.constant 11 : i32
        %add3A_565 = arith.addi %mul3A_180, %add3A_564 : i32
        %get3A_566 = arith.constant 1 : i32
        %get3A_567 = arith.index_cast %get3A_566 : i32 to index
        %get3A_568 = arith.index_cast %add3A_565 : i32 to index
        %get3A_569 = arith.constant 32 : index
        %get3A_570 = tpu.vector_load %arg12[%get3A_567, %get3A_568, %get3A_569] {strides = array<i32>} : memref<2x432x64xbf16, #tpu.memory_space<vmem>>, vector<32xbf16>,
        %unpack3A_571 = tpu.unpack_subelements %get3A_570, 0 {pack_format = #tpu.pack_format<interleaved>} : vector<32xbf16> -> vector<16xf32>
        %unpack3A_572 = tpu.unpack_subelements %get3A_570, 1 {pack_format = #tpu.pack_format<interleaved>} : vector<32xbf16> -> vector<16xf32>
        %mul3A_573 = arith.mulf %unpack3A_571, %gather3A_166 : vector<16xf32>
        %mul3A_574 = arith.mulf %unpack3A_572, %gather3A_167 : vector<16xf32>
        %add3A_575 = arith.addf %mul3A_573, %mul3A_574 : vector<16xf32>
        %add3A_576 = arith.addf %add3A_563, %add3A_575 : vector<16xf32>
        %eq3A_577 = arith.constant 11 : i32
        %eq3A_578 = vector.broadcast %eq3A_577 : i32 to vector<16xi32>
        %eq3A_579 = arith.cmpi eq, %iota3A, %eq3A_578 : vector<16xi32>
        %reduce_sum3A_580 = arith.constant true
        %reduce_sum3A_581 = vector.broadcast %reduce_sum3A_580 : i1 to vector<16xi1>
        %reduce_sum3A_582 = tpu.scan <sum>, %add3A_576 masked %reduce_sum3A_581 : vector<16xf32>, vector<16xi1> -> vector<16xf32>
        %reduce_sum3A_583 = vector.extract %reduce_sum3A_582[15] : f32 from vector<16xf32>
        %broadcast_in_dim3A_584 = vector.broadcast %reduce_sum3A_583 : f32 to vector<16xf32>
        %select_n3A_585 = arith.select %eq3A_579, %broadcast_in_dim3A_584, %select_n3A_551 : vector<16xi1>, vector<16xf32>
        %add3A_586 = arith.constant 12 : i32
        %add3A_587 = arith.addi %mul3A_180, %add3A_586 : i32
        %get3A_588 = arith.constant 1 : i32
        %get3A_589 = arith.index_cast %get3A_588 : i32 to index
        %get3A_590 = arith.index_cast %add3A_587 : i32 to index
        %get3A_591 = arith.constant 0 : index
        %get3A_592 = tpu.vector_load %arg12[%get3A_589, %get3A_590, %get3A_591] {strides = array<i32>} : memref<2x432x64xbf16, #tpu.memory_space<vmem>>, vector<32xbf16>,
        %unpack3A_593 = tpu.unpack_subelements %get3A_592, 0 {pack_format = #tpu.pack_format<interleaved>} : vector<32xbf16> -> vector<16xf32>
        %unpack3A_594 = tpu.unpack_subelements %get3A_592, 1 {pack_format = #tpu.pack_format<interleaved>} : vector<32xbf16> -> vector<16xf32>
        %mul3A_595 = arith.mulf %unpack3A_593, %gather3A_164 : vector<16xf32>
        %mul3A_596 = arith.mulf %unpack3A_594, %gather3A_165 : vector<16xf32>
        %add3A_597 = arith.addf %mul3A_595, %mul3A_596 : vector<16xf32>
        %add3A_598 = arith.constant 12 : i32
        %add3A_599 = arith.addi %mul3A_180, %add3A_598 : i32
        %get3A_600 = arith.constant 1 : i32
        %get3A_601 = arith.index_cast %get3A_600 : i32 to index
        %get3A_602 = arith.index_cast %add3A_599 : i32 to index
        %get3A_603 = arith.constant 32 : index
        %get3A_604 = tpu.vector_load %arg12[%get3A_601, %get3A_602, %get3A_603] {strides = array<i32>} : memref<2x432x64xbf16, #tpu.memory_space<vmem>>, vector<32xbf16>,
        %unpack3A_605 = tpu.unpack_subelements %get3A_604, 0 {pack_format = #tpu.pack_format<interleaved>} : vector<32xbf16> -> vector<16xf32>
        %unpack3A_606 = tpu.unpack_subelements %get3A_604, 1 {pack_format = #tpu.pack_format<interleaved>} : vector<32xbf16> -> vector<16xf32>
        %mul3A_607 = arith.mulf %unpack3A_605, %gather3A_166 : vector<16xf32>
        %mul3A_608 = arith.mulf %unpack3A_606, %gather3A_167 : vector<16xf32>
        %add3A_609 = arith.addf %mul3A_607, %mul3A_608 : vector<16xf32>
        %add3A_610 = arith.addf %add3A_597, %add3A_609 : vector<16xf32>
        %eq3A_611 = arith.constant 12 : i32
        %eq3A_612 = vector.broadcast %eq3A_611 : i32 to vector<16xi32>
        %eq3A_613 = arith.cmpi eq, %iota3A, %eq3A_612 : vector<16xi32>
        %reduce_sum3A_614 = arith.constant true
        %reduce_sum3A_615 = vector.broadcast %reduce_sum3A_614 : i1 to vector<16xi1>
        %reduce_sum3A_616 = tpu.scan <sum>, %add3A_610 masked %reduce_sum3A_615 : vector<16xf32>, vector<16xi1> -> vector<16xf32>
        %reduce_sum3A_617 = vector.extract %reduce_sum3A_616[15] : f32 from vector<16xf32>
        %broadcast_in_dim3A_618 = vector.broadcast %reduce_sum3A_617 : f32 to vector<16xf32>
        %select_n3A_619 = arith.select %eq3A_613, %broadcast_in_dim3A_618, %select_n3A_585 : vector<16xi1>, vector<16xf32>
        %add3A_620 = arith.constant 13 : i32
        %add3A_621 = arith.addi %mul3A_180, %add3A_620 : i32
        %get3A_622 = arith.constant 1 : i32
        %get3A_623 = arith.index_cast %get3A_622 : i32 to index
        %get3A_624 = arith.index_cast %add3A_621 : i32 to index
        %get3A_625 = arith.constant 0 : index
        %get3A_626 = tpu.vector_load %arg12[%get3A_623, %get3A_624, %get3A_625] {strides = array<i32>} : memref<2x432x64xbf16, #tpu.memory_space<vmem>>, vector<32xbf16>,
        %unpack3A_627 = tpu.unpack_subelements %get3A_626, 0 {pack_format = #tpu.pack_format<interleaved>} : vector<32xbf16> -> vector<16xf32>
        %unpack3A_628 = tpu.unpack_subelements %get3A_626, 1 {pack_format = #tpu.pack_format<interleaved>} : vector<32xbf16> -> vector<16xf32>
        %mul3A_629 = arith.mulf %unpack3A_627, %gather3A_164 : vector<16xf32>
        %mul3A_630 = arith.mulf %unpack3A_628, %gather3A_165 : vector<16xf32>
        %add3A_631 = arith.addf %mul3A_629, %mul3A_630 : vector<16xf32>
        %add3A_632 = arith.constant 13 : i32
        %add3A_633 = arith.addi %mul3A_180, %add3A_632 : i32
        %get3A_634 = arith.constant 1 : i32
        %get3A_635 = arith.index_cast %get3A_634 : i32 to index
        %get3A_636 = arith.index_cast %add3A_633 : i32 to index
        %get3A_637 = arith.constant 32 : index
        %get3A_638 = tpu.vector_load %arg12[%get3A_635, %get3A_636, %get3A_637] {strides = array<i32>} : memref<2x432x64xbf16, #tpu.memory_space<vmem>>, vector<32xbf16>,
        %unpack3A_639 = tpu.unpack_subelements %get3A_638, 0 {pack_format = #tpu.pack_format<interleaved>} : vector<32xbf16> -> vector<16xf32>
        %unpack3A_640 = tpu.unpack_subelements %get3A_638, 1 {pack_format = #tpu.pack_format<interleaved>} : vector<32xbf16> -> vector<16xf32>
        %mul3A_641 = arith.mulf %unpack3A_639, %gather3A_166 : vector<16xf32>
        %mul3A_642 = arith.mulf %unpack3A_640, %gather3A_167 : vector<16xf32>
        %add3A_643 = arith.addf %mul3A_641, %mul3A_642 : vector<16xf32>
        %add3A_644 = arith.addf %add3A_631, %add3A_643 : vector<16xf32>
        %eq3A_645 = arith.constant 13 : i32
        %eq3A_646 = vector.broadcast %eq3A_645 : i32 to vector<16xi32>
        %eq3A_647 = arith.cmpi eq, %iota3A, %eq3A_646 : vector<16xi32>
        %reduce_sum3A_648 = arith.constant true
        %reduce_sum3A_649 = vector.broadcast %reduce_sum3A_648 : i1 to vector<16xi1>
        %reduce_sum3A_650 = tpu.scan <sum>, %add3A_644 masked %reduce_sum3A_649 : vector<16xf32>, vector<16xi1> -> vector<16xf32>
        %reduce_sum3A_651 = vector.extract %reduce_sum3A_650[15] : f32 from vector<16xf32>
        %broadcast_in_dim3A_652 = vector.broadcast %reduce_sum3A_651 : f32 to vector<16xf32>
        %select_n3A_653 = arith.select %eq3A_647, %broadcast_in_dim3A_652, %select_n3A_619 : vector<16xi1>, vector<16xf32>
        %add3A_654 = arith.constant 14 : i32
        %add3A_655 = arith.addi %mul3A_180, %add3A_654 : i32
        %get3A_656 = arith.constant 1 : i32
        %get3A_657 = arith.index_cast %get3A_656 : i32 to index
        %get3A_658 = arith.index_cast %add3A_655 : i32 to index
        %get3A_659 = arith.constant 0 : index
        %get3A_660 = tpu.vector_load %arg12[%get3A_657, %get3A_658, %get3A_659] {strides = array<i32>} : memref<2x432x64xbf16, #tpu.memory_space<vmem>>, vector<32xbf16>,
        %unpack3A_661 = tpu.unpack_subelements %get3A_660, 0 {pack_format = #tpu.pack_format<interleaved>} : vector<32xbf16> -> vector<16xf32>
        %unpack3A_662 = tpu.unpack_subelements %get3A_660, 1 {pack_format = #tpu.pack_format<interleaved>} : vector<32xbf16> -> vector<16xf32>
        %mul3A_663 = arith.mulf %unpack3A_661, %gather3A_164 : vector<16xf32>
        %mul3A_664 = arith.mulf %unpack3A_662, %gather3A_165 : vector<16xf32>
        %add3A_665 = arith.addf %mul3A_663, %mul3A_664 : vector<16xf32>
        %add3A_666 = arith.constant 14 : i32
        %add3A_667 = arith.addi %mul3A_180, %add3A_666 : i32
        %get3A_668 = arith.constant 1 : i32
        %get3A_669 = arith.index_cast %get3A_668 : i32 to index
        %get3A_670 = arith.index_cast %add3A_667 : i32 to index
        %get3A_671 = arith.constant 32 : index
        %get3A_672 = tpu.vector_load %arg12[%get3A_669, %get3A_670, %get3A_671] {strides = array<i32>} : memref<2x432x64xbf16, #tpu.memory_space<vmem>>, vector<32xbf16>,
        %unpack3A_673 = tpu.unpack_subelements %get3A_672, 0 {pack_format = #tpu.pack_format<interleaved>} : vector<32xbf16> -> vector<16xf32>
        %unpack3A_674 = tpu.unpack_subelements %get3A_672, 1 {pack_format = #tpu.pack_format<interleaved>} : vector<32xbf16> -> vector<16xf32>
        %mul3A_675 = arith.mulf %unpack3A_673, %gather3A_166 : vector<16xf32>
        %mul3A_676 = arith.mulf %unpack3A_674, %gather3A_167 : vector<16xf32>
        %add3A_677 = arith.addf %mul3A_675, %mul3A_676 : vector<16xf32>
        %add3A_678 = arith.addf %add3A_665, %add3A_677 : vector<16xf32>
        %eq3A_679 = arith.constant 14 : i32
        %eq3A_680 = vector.broadcast %eq3A_679 : i32 to vector<16xi32>
        %eq3A_681 = arith.cmpi eq, %iota3A, %eq3A_680 : vector<16xi32>
        %reduce_sum3A_682 = arith.constant true
        %reduce_sum3A_683 = vector.broadcast %reduce_sum3A_682 : i1 to vector<16xi1>
        %reduce_sum3A_684 = tpu.scan <sum>, %add3A_678 masked %reduce_sum3A_683 : vector<16xf32>, vector<16xi1> -> vector<16xf32>
        %reduce_sum3A_685 = vector.extract %reduce_sum3A_684[15] : f32 from vector<16xf32>
        %broadcast_in_dim3A_686 = vector.broadcast %reduce_sum3A_685 : f32 to vector<16xf32>
        %select_n3A_687 = arith.select %eq3A_681, %broadcast_in_dim3A_686, %select_n3A_653 : vector<16xi1>, vector<16xf32>
        %add3A_688 = arith.constant 15 : i32
        %add3A_689 = arith.addi %mul3A_180, %add3A_688 : i32
        %get3A_690 = arith.constant 1 : i32
        %get3A_691 = arith.index_cast %get3A_690 : i32 to index
        %get3A_692 = arith.index_cast %add3A_689 : i32 to index
        %get3A_693 = arith.constant 0 : index
        %get3A_694 = tpu.vector_load %arg12[%get3A_691, %get3A_692, %get3A_693] {strides = array<i32>} : memref<2x432x64xbf16, #tpu.memory_space<vmem>>, vector<32xbf16>,
        %unpack3A_695 = tpu.unpack_subelements %get3A_694, 0 {pack_format = #tpu.pack_format<interleaved>} : vector<32xbf16> -> vector<16xf32>
        %unpack3A_696 = tpu.unpack_subelements %get3A_694, 1 {pack_format = #tpu.pack_format<interleaved>} : vector<32xbf16> -> vector<16xf32>
        %mul3A_697 = arith.mulf %unpack3A_695, %gather3A_164 : vector<16xf32>
        %mul3A_698 = arith.mulf %unpack3A_696, %gather3A_165 : vector<16xf32>
        %add3A_699 = arith.addf %mul3A_697, %mul3A_698 : vector<16xf32>
        %add3A_700 = arith.constant 15 : i32
        %add3A_701 = arith.addi %mul3A_180, %add3A_700 : i32
        %get3A_702 = arith.constant 1 : i32
        %get3A_703 = arith.index_cast %get3A_702 : i32 to index
        %get3A_704 = arith.index_cast %add3A_701 : i32 to index
        %get3A_705 = arith.constant 32 : index
        %get3A_706 = tpu.vector_load %arg12[%get3A_703, %get3A_704, %get3A_705] {strides = array<i32>} : memref<2x432x64xbf16, #tpu.memory_space<vmem>>, vector<32xbf16>,
        %unpack3A_707 = tpu.unpack_subelements %get3A_706, 0 {pack_format = #tpu.pack_format<interleaved>} : vector<32xbf16> -> vector<16xf32>
        %unpack3A_708 = tpu.unpack_subelements %get3A_706, 1 {pack_format = #tpu.pack_format<interleaved>} : vector<32xbf16> -> vector<16xf32>
        %mul3A_709 = arith.mulf %unpack3A_707, %gather3A_166 : vector<16xf32>
        %mul3A_710 = arith.mulf %unpack3A_708, %gather3A_167 : vector<16xf32>
        %add3A_711 = arith.addf %mul3A_709, %mul3A_710 : vector<16xf32>
        %add3A_712 = arith.addf %add3A_699, %add3A_711 : vector<16xf32>
        %eq3A_713 = arith.constant 15 : i32
        %eq3A_714 = vector.broadcast %eq3A_713 : i32 to vector<16xi32>
        %eq3A_715 = arith.cmpi eq, %iota3A, %eq3A_714 : vector<16xi32>
        %reduce_sum3A_716 = arith.constant true
        %reduce_sum3A_717 = vector.broadcast %reduce_sum3A_716 : i1 to vector<16xi1>
        %reduce_sum3A_718 = tpu.scan <sum>, %add3A_712 masked %reduce_sum3A_717 : vector<16xf32>, vector<16xi1> -> vector<16xf32>
        %reduce_sum3A_719 = vector.extract %reduce_sum3A_718[15] : f32 from vector<16xf32>
        %broadcast_in_dim3A_720 = vector.broadcast %reduce_sum3A_719 : f32 to vector<16xf32>
        %select_n3A_721 = arith.select %eq3A_715, %broadcast_in_dim3A_720, %select_n3A_687 : vector<16xi1>, vector<16xf32>
        %swap3A = arith.index_cast %mul3A_180 : i32 to index
        %swap3A_722 = tpu.vector_load %arg13[%swap3A] {strides = array<i32>} : memref<432xf32, #tpu.memory_space<vmem>>, vector<16xf32>,
        tpu.vector_store %arg13[%swap3A], %select_n3A_721 {strides = array<i32>} : memref<432xf32, #tpu.memory_space<vmem>>, vector<16xf32>,
      }
      %scan3A_172 = arith.constant 27 : i32
      %add3A_173 = arith.addi %mul3A_2, %add3A_162 : i32
      "tpu.region"() ({
        %run_scoped3A = tpu.sem_alloc : memref<!tpu.dma_semaphore, #tpu.memory_space<semaphore_mem>>
        %dma_start3A_174 = arith.constant 0 : i32
        %dma_start3A_175 = tpu.memref_slice %arg7[%add3A_173, %dma_start3A_174] : memref<4096x432xf32, #tpu.memory_space<hbm>> -> memref<1x432xf32, #tpu.memory_space<hbm>>
        %dma_start3A_176 = tpu.memref_squeeze %dma_start3A_175 : memref<1x432xf32, #tpu.memory_space<hbm>> -> memref<432xf32, #tpu.memory_space<hbm>>
        %dma_start3A_177 = arith.constant 0 : i32
        %dma_start3A_178 = tpu.memref_slice %arg7[%add3A_173, %dma_start3A_177] : memref<4096x432xf32, #tpu.memory_space<hbm>> -> memref<1x432xf32, #tpu.memory_space<hbm>>
        %dma_start3A_179 = tpu.memref_squeeze %dma_start3A_178 : memref<1x432xf32, #tpu.memory_space<hbm>> -> memref<432xf32, #tpu.memory_space<hbm>>
        tpu.enqueue_dma source(%arg13 : memref<432xf32, #tpu.memory_space<vmem>>) target(%dma_start3A_179 : memref<432xf32, #tpu.memory_space<hbm>>) target_semaphore(%run_scoped3A : memref<!tpu.dma_semaphore, #tpu.memory_space<semaphore_mem>>)
        %dma_wait3A_180 = arith.constant 0 : i32
        %dma_wait3A_181 = tpu.memref_slice %arg7[%add3A_173, %dma_wait3A_180] : memref<4096x432xf32, #tpu.memory_space<hbm>> -> memref<1x432xf32, #tpu.memory_space<hbm>>
        %dma_wait3A_182 = tpu.memref_squeeze %dma_wait3A_181 : memref<1x432xf32, #tpu.memory_space<hbm>> -> memref<432xf32, #tpu.memory_space<hbm>>
        %dma_wait3A_183 = arith.constant 0 : i32
        %dma_wait3A_184 = tpu.memref_slice %arg7[%add3A_173, %dma_wait3A_183] : memref<4096x432xf32, #tpu.memory_space<hbm>> -> memref<1x432xf32, #tpu.memory_space<hbm>>
        %dma_wait3A_185 = tpu.memref_squeeze %dma_wait3A_184 : memref<1x432xf32, #tpu.memory_space<hbm>> -> memref<432xf32, #tpu.memory_space<hbm>>
        tpu.wait_dma2 semaphore(%run_scoped3A : memref<!tpu.dma_semaphore, #tpu.memory_space<semaphore_mem>>) src(%arg13 : memref<432xf32, #tpu.memory_space<vmem>>) dst(%dma_wait3A_185 : memref<432xf32, #tpu.memory_space<hbm>>)
        tpu.yield
      }) : () -> ()
    }
    %scan3A_69 = arith.constant 64 : i32
    return
  }
}

module attributes {stable_mosaic.version = 14 : i64} {
  func.func @red(%arg0: i32, %arg1: memref<512x432xf32, #tpu.memory_space<vmem>>, %arg2: memref<1xf32, #tpu.memory_space<smem>>, %arg3: memref<1xf32, #tpu.memory_space<smem>>) attributes {dimension_semantics = [#tpu.dimension_semantics<arbitrary>], iteration_bounds = array<i64: 8>, scalar_prefetch = 0 : i64, scratch_operands = 1 : i64, tpu.core_type = #tpu.core_type<tc>, window_params = [{transform_indices = @transform_0, window_bounds = array<i64: 512, 432>}, {transform_indices = @transform_1, window_bounds = array<i64: 1>}]} {
    %get3A = arith.constant 0 : index
    %get3A_0 = arith.constant 0 : index
    %get3A_1 = vector.load %arg1[%get3A, %get3A_0] : memref<512x432xf32, #tpu.memory_space<vmem>>, vector<512x432xf32>
    %iota3A = tpu.iota {dimensions = array<i32: 1>} : vector<512x432xi32>
    %lt3A = arith.constant 20 : i32
    %lt3A_2 = vector.broadcast %lt3A : i32 to vector<512x432xi32>
    %lt3A_3 = arith.cmpi slt, %iota3A, %lt3A_2 : vector<512x432xi32>
    %neg3A = arith.constant 0.000000e+00 : f32
    %neg3A_4 = vector.broadcast %neg3A : f32 to vector<512x432xf32>
    %neg3A_5 = arith.subf %neg3A_4, %get3A_1 : vector<512x432xf32>
    %select_n3A = arith.select %lt3A_3, %get3A_1, %neg3A_5 : vector<512x432xi1>, vector<512x432xf32>
    %logistic3A = arith.negf %select_n3A : vector<512x432xf32>
    %logistic3A_6 = math.exp %logistic3A : vector<512x432xf32>
    %logistic3A_7 = arith.constant 1.000000e+00 : f32
    %logistic3A_8 = vector.broadcast %logistic3A_7 : f32 to vector<512x432xf32>
    %logistic3A_9 = arith.addf %logistic3A_8, %logistic3A_6 : vector<512x432xf32>
    %logistic3A_10 = arith.divf %logistic3A_8, %logistic3A_9 : vector<512x432xf32>
    %log3A = math.log %logistic3A_10 : vector<512x432xf32>
    %lt3A_11 = arith.constant 420 : i32
    %lt3A_12 = vector.broadcast %lt3A_11 : i32 to vector<512x432xi32>
    %lt3A_13 = arith.cmpi slt, %iota3A, %lt3A_12 : vector<512x432xi32>
    %jit3A = arith.constant 0.000000e+00 : f32
    %broadcast_in_dim3A = vector.broadcast %jit3A : f32 to vector<512x432xf32>
    %select_n3A_14 = arith.select %lt3A_13, %log3A, %broadcast_in_dim3A : vector<512x432xi1>, vector<512x432xf32>
    %eq3A = arith.constant 0 : i32
    %eq3A_15 = arith.cmpi eq, %arg0, %eq3A : i32
    %convert_element_type3A = arith.extui %eq3A_15 : i1 to i32
    %cond3A = arith.constant 0 : i32
    %cond3A_16 = arith.cmpi ne, %convert_element_type3A, %cond3A : i32
    scf.if %cond3A_16 {
      %swap3A_29 = arith.constant 0.000000e+00 : f32
      %swap3A_30 = arith.constant 0 : index
      %swap3A_31 = memref.load %arg3[%swap3A_30] : memref<1xf32, #tpu.memory_space<smem>>
      memref.store %swap3A_29, %arg3[%swap3A_30] : memref<1xf32, #tpu.memory_space<smem>>
    } else {
    }
    %get3A_17 = arith.constant 0 : index
    %get3A_18 = memref.load %arg3[%get3A_17] : memref<1xf32, #tpu.memory_space<smem>>
    %reduce_sum3A = vector.shape_cast %select_n3A_14 : vector<512x432xf32> to vector<1x512x432xf32>
    %reduce_sum3A_19 = arith.constant dense<0.000000e+00> : vector<1xf32>
    %reduce_sum3A_20 = vector.multi_reduction <add>, %reduce_sum3A, %reduce_sum3A_19 [1, 2] : vector<1x512x432xf32> to vector<1xf32>
    %reduce_sum3A_21 = vector.shape_cast %reduce_sum3A_20 : vector<1xf32> to vector<1x1x1xf32>
    %reduce_sum3A_22 = vector.extract %reduce_sum3A_21[0, 0, 0] : f32 from vector<1x1x1xf32>
    %add3A = arith.addf %get3A_18, %reduce_sum3A_22 : f32
    %swap3A = arith.constant 0 : index
    %swap3A_23 = memref.load %arg3[%swap3A] : memref<1xf32, #tpu.memory_space<smem>>
    memref.store %add3A, %arg3[%swap3A] : memref<1xf32, #tpu.memory_space<smem>>
    %eq3A_24 = arith.constant 7 : i32
    %eq3A_25 = arith.cmpi eq, %arg0, %eq3A_24 : i32
    %convert_element_type3A_26 = arith.extui %eq3A_25 : i1 to i32
    %cond3A_27 = arith.constant 0 : i32
    %cond3A_28 = arith.cmpi ne, %convert_element_type3A_26, %cond3A_27 : i32
    scf.if %cond3A_28 {
      %get3A_29 = arith.constant 0 : index
      %get3A_30 = memref.load %arg3[%get3A_29] : memref<1xf32, #tpu.memory_space<smem>>
      %neg3A_31 = arith.constant 0.000000e+00 : f32
      %neg3A_32 = arith.subf %neg3A_31, %get3A_30 : f32
      %div3A = arith.constant 4.096000e+03 : f32
      %div3A_33 = arith.divf %neg3A_32, %div3A : f32
      %swap3A_34 = arith.constant 0 : index
      %swap3A_35 = memref.load %arg2[%swap3A_34] : memref<1xf32, #tpu.memory_space<smem>>
      memref.store %div3A_33, %arg2[%swap3A_34] : memref<1xf32, #tpu.memory_space<smem>>
    } else {
    }
    return
  }
  func.func @transform_0(%arg0: i32) -> (i32, i32) {
    %c0_i32 = arith.constant 0 : i32
    %c0_i32_0 = arith.constant 0 : i32
    return %arg0, %c0_i32 : i32, i32
  }
  func.func @transform_1(%arg0: i32) -> i32 {
    %c0_i32 = arith.constant 0 : i32
    %c0_i32_0 = arith.constant 0 : i32
    return %c0_i32 : i32
  }
}

</mosaic_0001>

<sc_bundles>
// kernel: kernel.4.cloned.1.call-start
scs
__scs_entry_jumppad:
0x0: {  	(pc) =	sbr.rel $0x88, $3  }
0x1: {  	(tag) =	ssettag $0x0;
	lr =	simm.s32 $0x1  }
0x2: {  	[smem:$0x3F9C] =	sst lr;
	_ =	strace $0xD0000000  }
0x3: {  	_ = 	snop  }
0x4: {  	_ = 	snop  }
0x5: {  	_ = 	snop  }
0x6: {  	_ = 	snop  }
0x7: {  	_ = 	snop  }
__scs_overlays_trampoline_lowered:
0x8: {  	[smem:$0x3FAB] =	sst s0  }
0x9: {  	[smem:$0x3FAC] =	sst s1  }
0xa: {  	[smem:$0x3FAD] =	sst s2  }
0xb: {  	[smem:$0x3FAE] =	sst s3  }
0xc: {  	[smem:$0x3FAF] =	sst s4  }
0xd: {  	[smem:$0x3FB0] =	sst s5  }
0xe: {  	[smem:$0x3FB1] =	sst s6  }
0xf: {  	[smem:$0x3FB2] =	sst s7  }
0x10: {  	[smem:$0x3FB3] =	sst s8  }
0x11: {  	[smem:$0x3FB4] =	sst s9;
	s0 =	simm.s32 @!p0 $0x0  }
0x12: {  	s1 =	sld [smem:$0x3F9A];
	s0 =	simm.s32 @p0 $0x1  }
0x13: {  	[smem:$0x3FB5] =	sst s0;
	s0 =	simm.s32 @!p1 $0x0  }
0x14: {  	s2 =	sld [smem:$0x3F99];
	s0 =	simm.s32 @p1 $0x1  }
0x15: {  	[smem:$0x3FB6] =	sst s0;
	s0 =	simm.s32 @!p2 $0x0  }
0x16: {  	s3 =	sld [smem:$0x3FDB];
	s0 =	simm.s32 @p2 $0x1  }
0x17: {  	s4 =	simm.s32 $0x1BF5;
	[smem:$0x3FB8] =	sst s0  }
0x18: {  	s0 =	sld [smem:$0x3F9B];
	_ =	swait.ge [sflag:s4], $0x0  }
0x19: {  	s7 =	sld [smem:$0x3F9C]  }
0x1a: {  	s8 =	sadd.s32 $0xFFFFE003, lr  }
0x1b: {  	s9 =	sadd.s32 $0xFFFFFEF7, lr;
	s5 =	simm.s32 $0xFFFFFFFF;
	p2 =	slt.u32 s8, $0xFFFFF086  }
0x1c: {  	p1 =	slt.u32 s9, $0xF7A;
	s5 =	simm.s32 @!p2 $0x0  }
0x1d: {  	s5 =	simm.s32 @p1 $0x1;
	p0 =	seq.s32 s7, s2  }
0x1e: {  	s7 =	smul.u32 @!p0 $0xF7A, s2;
	p2 =	seq.s32 @!p0 s5, $0x0  }
0x1f: {  	s9 =	smul.u32 $0xF7A, s1;
	s8 =	simm.s32 @!p0 $0x1BF5;
	p2 =	por !p2, p0  }
0x20: {  	[sflag:s8] =	ssyncset.s32 @!p0 $0xFFFFF086;
	s6 =	sadd.s32 @!p0 s3, s7;
	s7 =	simm.s32 @!p0 $0x108  }
0x21: {  	s3 =	sadd.s32 s3, s9;
	s6 =	sadd.s32 @!p0 $0x88, s6;
	s7 =	simm.s32 @p2 $0x1082  }
0x22: {  	[simem:s7], [sflag:s8] =	dma.local @!p0 [hbm:s6], $0xF7A  }
0x23: {  	s9 =	sor.u32 $0xD0000000, s2;
	s6 =	simm.s32 $0x108;
	_ =	swait.ge @!p0 [sflag:s8], $0x0  }
0x24: {  	s3 =	sadd.s32 $0x88, s3;
	s6 =	simm.s32 @!p1 $0x1082;
	[sflag:s4] =	ssyncset.s32 $0xFFFFF086  }
0x25: {  	[simem:s6], [sflag:s4] =	dma.local [hbm:s3], $0xF7A  }
0x26: {  	[smem:$0x3F9C] =	sst s1;
	(tag) =	ssettag s2;
	_ =	strace s9  }
0x27: {  	s1 =	sld [smem:$0x3FAC]  }
0x28: {  	s2 =	sld [smem:$0x3FAD]  }
0x29: {  	s4 =	sld [smem:$0x3FAF]  }
0x2a: {  	p0 =	seq.s32 s5, $0x0;
	s5 =	sld [smem:$0x3FB0]  }
0x2b: {  	s6 =	sld [smem:$0x3FB1]  }
0x2c: {  	s7 =	sld [smem:$0x3FB2]  }
0x2d: {  	s3 =	simm.s32 $0x108;
	s8 =	sld [smem:$0x3FB3]  }
0x2e: {  	s3 =	simm.s32 @!p0 $0x1082;
	s9 =	sld [smem:$0x3FB4]  }
0x2f: {  	lr =	sadd.s32 s0, s3;
	s0 =	sld [smem:$0x3FAB]  }
0x30: {  	s3 =	sld [smem:$0x3FAE]  }
0x31: {  	[smem:$0x3FB7] =	sst s10  }
0x32: {  	s10 =	sld [smem:$0x3FB5];
	_ =	sdelay $0x3  }
0x33: {  	p0 =	seq.s32 s10, $0x1;
	s10 =	sld [smem:$0x3FB7];
	_ =	sdelay $0x3  }
0x34: {  	[smem:$0x3FB7] =	sst s10  }
0x35: {  	s10 =	sld [smem:$0x3FB6];
	_ =	sdelay $0x3  }
0x36: {  	p1 =	seq.s32 s10, $0x1;
	s10 =	sld [smem:$0x3FB7];
	_ =	sdelay $0x3  }
0x37: {  	[smem:$0x3FB7] =	sst s10  }
0x38: {  	s10 =	sld [smem:$0x3FB8]  }
0x39: {  	_ = 	snop;
	(pc) =	sbr.ind lr, $3  }
0x3a: {  	_ = 	snop  }
0x3b: {  	_ = 	snop  }
0x3c: {  	p2 =	seq.s32 s10, $0x1;
	s10 =	sld [smem:$0x3FB7]  }
0x3d: {  	_ =	shalt  }
0x3e: {  	_ =	shalt  }
0x3f: {  	_ =	shalt  }
0x40: {  	_ =	shalt  }
0x41: {  	_ =	shalt  }
0x42: {  	_ =	shalt  }
0x43: {  	_ =	shalt  }
0x44: {  	_ =	shalt  }
0x45: {  	_ =	shalt  }
0x46: {  	_ =	shalt  }
0x47: {  	_ =	shalt  }
0x48: {  	_ =	shalt  }
0x49: {  	_ =	shalt  }
0x4a: {  	_ =	shalt  }
0x4b: {  	_ =	shalt  }
0x4c: {  	_ =	shalt  }
0x4d: {  	_ =	shalt  }
0x4e: {  	_ =	shalt  }
0x4f: {  	_ =	shalt  }
0x50: {  	_ =	shalt  }
0x51: {  	_ =	shalt  }
0x52: {  	_ =	shalt  }
0x53: {  	_ =	shalt  }
0x54: {  	_ =	shalt  }
0x55: {  	_ =	shalt  }
0x56: {  	_ =	shalt  }
0x57: {  	_ =	shalt  }
0x58: {  	_ =	shalt  }
0x59: {  	_ =	shalt  }
0x5a: {  	_ =	shalt  }
0x5b: {  	_ =	shalt  }
0x5c: {  	_ =	shalt  }
0x5d: {  	_ =	shalt  }
0x5e: {  	_ =	shalt  }
0x5f: {  	_ =	shalt  }
0x60: {  	_ =	shalt  }
0x61: {  	_ =	shalt  }
0x62: {  	_ =	shalt  }
0x63: {  	_ =	shalt  }
0x64: {  	_ =	shalt  }
0x65: {  	_ =	shalt  }
0x66: {  	_ =	shalt  }
0x67: {  	_ =	shalt  }
0x68: {  	_ =	shalt  }
0x69: {  	_ =	shalt  }
0x6a: {  	_ =	shalt  }
0x6b: {  	_ =	shalt  }
0x6c: {  	_ =	shalt  }
0x6d: {  	_ =	shalt  }
0x6e: {  	_ =	shalt  }
0x6f: {  	_ =	shalt  }
0x70: {  	_ =	shalt  }
0x71: {  	_ =	shalt  }
0x72: {  	_ =	shalt  }
0x73: {  	_ =	shalt  }
0x74: {  	_ =	shalt  }
0x75: {  	_ =	shalt  }
0x76: {  	_ =	shalt  }
0x77: {  	_ =	shalt  }
0x78: {  	_ =	shalt  }
0x79: {  	_ =	shalt  }
0x7a: {  	_ =	shalt  }
0x7b: {  	_ =	shalt  }
0x7c: {  	_ =	shalt  }
0x7d: {  	_ =	shalt  }
0x7e: {  	_ =	shalt  }
0x7f: {  	_ =	shalt  }
0x80: {  	_ =	shalt  }
0x81: {  	_ =	shalt  }
0x82: {  	_ =	shalt  }
0x83: {  	_ =	shalt  }
0x84: {  	_ =	shalt  }
0x85: {  	_ =	shalt  }
0x86: {  	_ =	shalt  }
0x87: {  	_ =	shalt  }
.Lfunc_end0:
.L_simem_size_0:
called_computation_lowered:
.L_overlay_start_0:
0x88: {  	s2 =	sld [smem:$0x3FD9]  }
0x89: {  	s3 =	sld [smem:$0x3FFE];
	_ =	sdelay $0x1  }
0x8a: {  	s1 =	srdreg.scid  }
0x8b: {  	s0 =	sand.u32 $0x1, s1  }
0x8c: {  	s17 =	sshll.u32 s0, $0xA;
	s2 =	sadd.s32 s3, s2  }
0x8d: {  	s2 =	sadd.s32 s2, s17  }
0x8e: {  	[smem:$0x3FC3] =	sst s2  }
0x8f: {  	_ = 	snop  }
0x90: {  	s2 =	sld [smem:$0x3FC9];
	(tm) =	ssettm $0x1  }
0x91: {  	s18 =	sld [smem:$0x3FFB];
	_ =	sdelay $0x3  }
0x92: {  	_ =	strace s18  }
0x93: {  	s3 =	sld [smem:$0x3FFC];
	_ =	sdelay $0x3  }
0x94: {  	_ =	strace s3  }
0x95: {  	s3 =	sld [smem:$0x3FFD];
	_ =	sdelay $0x3  }
0x96: {  	_ =	strace s3  }
0x97: {  	_ =	strace $0x8FFFFFFF  }
0x98: {  	s19 =	sld [smem:$0x3FDB];
	_ =	sdelay $0x1  }
0x99: {  	s4 =	simm.s32 $_scs_section_size  }
0x9a: {  	s5 =	simm.s32 $_size__tile_overlayer_lowered;
	s6 =	simm.s32 $_tile_overlayer_lowered  }
0x9b: {  	s22 =	simm.s32 $0x1BFF;
	s21 =	sshll.u32 s6, $0x1;
	s3 =	sadd.s32 s4, s19  }
0x9c: {  	s7 =	simm.s32 $0x0;
	s20 =	sshll.u32 s5, $0x1;
	s5 =	sadd.s32 s21, s3  }
0x9d: {  	[timem:s7], [sflag:s22] =	dma.local [hbm:s5], s20  }
0x9e: {  	_ =	swait.ge [sflag:s22], s20  }
0x9f: {  	s4 =	ssub.s32 $0x0, s20;
	[sflag:s22] =	ssyncset.done $0x0  }
0xa0: {  	[sflag:s22] =	ssyncadd.s32 s4;
	_ =	sdelay $0x1  }
0xa1: {  	s23 =	simm.s32 $0x1B8B  }
0xa2: {  	_ =	swait.ge [sflag:s23], $0x1  }
0xa3: {  	[sflag:s23] =	ssyncset.done $0x0  }
0xa4: {  	s25 =	simm.s32 $0x1B8E;
	s24 =	sld [smem:$0x3FFE];
	[sflag:s23] =	ssyncadd.s32 $0xFFFFFFFF  }
0xa5: {  	s26 =	simm.s32 $execute0_lowered;
	[smem:$0x3FD2] =	sst s25  }
0xa6: {  	s5 =	sshll.u32 s26, $0x1;
	_ =	strace $0x80000046;
	[dreg:$0x1] =	wrdreg $0xFFFFFFFF  }
0xa7: {  	s28 =	simm.s32 $_size_execute0_lowered;
	s3 =	sadd.s32 s3, s5;
	[dreg:$0x0] =	wrdreg $0x0  }
0xa8: {  	s5 =	sshll.u32 s28, $0x1;
	[dreg:$0x2] =	wrdreg s3  }
0xa9: {  	[dreg:$0x3] =	wrdreg s5  }
0xaa: {  	[dreg:$0x4] =	wrdreg $0xC0  }
0xab: {  	_ =	task [dreg:s7], $0x5FFFF  }
0xac: {  	[dreg:$0x1] =	wrdreg $0xFFFFFFFF  }
0xad: {  	[dreg:$0x0] =	wrdreg $0x60  }
0xae: {  	[dreg:$0x2] =	wrdreg s24  }
0xaf: {  	[dreg:$0x3] =	wrdreg s2  }
0xb0: {  	[dreg:$0x4] =	wrdreg $0x9  }
0xb1: {  	_ =	task.clear_ibuf [dreg:s7], $0x5FFFF;
	_ =	strace $0x90000046  }
0xb2: {  	s29 =	simm.s32 $0x9;
	_ =	strace $0x80000048  }
0xb3: {  	_ =	swait.ge [sflag:s29], $0x1  }
0xb4: {  	[sflag:s29] =	ssyncadd.s32 $0xFFFFFFFF  }
0xb5: {  	_ =	strace $0x90000048  }
0xb6: {  	_ =	sfence  }
0xb7: {  	s30 =	sld [smem:$0x0];
	_ =	sdelay $0x2  }
0xb8: {  	s31 =	sshll.u32 s1, $0xD;
	s1 =	sshrl.u32 s1, $0x2  }
0xb9: {  	s3 =	sand.u32 $0x4000, s31;
	s1 =	sadd.s32 s1, s30  }
0xba: {  	s0 =	sor.u32 s3, s0;
	s1 =	sshll.u32 s1, $0x11  }
0xbb: {  	s0 =	sor.u32 s1, s0  }
0xbc: {  	s0 =	sadd.s32 $0x8F2B, s0  }
0xbd: {  	[sflag:s0] =	ssyncadd.remote.s32 $0x1  }
0xbe: {  	_ =	sfence.sel $0xFFFF  }
0xbf: {  	[dreg:$0x0] =	wrdreg $0xFFFFFFFF;
	(pc) =	sbr.abs _section_cstart, $3  }
0xc0: {  	[dreg:$0x1] =	wrdreg $0xFFFFFFFF  }
0xc1: {  	_ =	task.clear_ibuf [dreg:s7], $0x2FFFF;
	_ =	strace $0x9FFFFFFF  }
0xc2: {  	(tm) =	ssettm $0x7FFFFFFF  }
0xc3: {  	_ =	shalt  }
tec
execute0_lowered:
.L_overlay_start_1:
0x0: {  	(tag) =	ssettag $0x1  }
0x1: {  	s0 =	rddreg [dreg:$0x0]  }
0x2: {  	s7 =	rddreg [dreg:$0x1]  }
0x3: {  	s2 =	srdreg.scid;
	s1 =	stileid.u32;
	s13 =	simm.s32 $0x3  }
0x4: {  	s14 =	simm.s32 $0x2080;
	s15 =	simm.s32 $0x2C80;
	s16 =	simm.s32 $0x14  }
0x5: {  	s17 =	simm.s32 $0xF480;
	s18 =	simm.s32 $0x190;
	s19 =	simm.s32 $0xF700  }
0x6: {  	s20 =	simm.s32 $0x12A80;
	s21 =	simm.s32 $0x12D00;
	s22 =	simm.s32 $0x1  }
0x7: {  	s23 =	simm.s32 $0x16080;
	s24 =	simm.s32 $0x2;
	s25 =	simm.s32 $0x0  }
0x8: {  	s6 =	sand.u32 $0x1, s2;
	s2 =	simm.s32 $0x0;
	s3 =	sshll.u32 s1, $0x8  }
0x9: {  	v0 =	vlaneseq.u32;
	vm0 =	vmmov $0x1;
	s5 =	sadd.s32 $0x2A00, s0;
	s4 =	sshll.u32 s6, $0x7;
	[smem:$0x7FF] =	sst s2  }
0xa: {  	vm1 =	vmmov $0x3;
	vm2 =	vmmov $0x7;
	vm3 =	vmmov $0xf;
	s10 =	ssub.s32 $0x2, s6;
	s6 =	sadd.s32 $0x99600, s0;
	s3 =	sor.u32 s4, s3  }
0xb: {  	vm4 =	vmmov $0x1f;
	vm5 =	vmmov $0x3f;
	vm6 =	vmmov $0x7f;
	_ =	strace $0x80000047;
	s4 =	sadd.s32 $0x189400, s0;
	s8 =	smul.u32 $0x3, s3  }
0xc: {  	vm7 =	vmmov $0xff;
	vm8 =	vmmov $0x1ff;
	vm9 =	vmmov $0x3ff;
	s11 =	sshrl.u32 s10, $0x1;
	s9 =	smul.u32 $0x32, s3;
	s12 =	sshrl.u32 s3, $0x3  }
0xd: {  	vm10 =	vmmov $0x7ff;
	vm11 =	vmmov $0xfff;
	v0 =	vmul.u32 $0x2, v0;
	s31 =	ssub.s32 s10, s11;
	s11 =	simm.s32 $0x4;
	s7 =	sadd.s32 s7, s12  }
0xe: {  	vm12 =	vmmov $0x1fff;
	vm13 =	vmmov $0x3fff;
	vm14 =	vmmov $0x7fff;
	s10 =	smax.u32 s31, $0x1;
	s8 =	sadd.s32 s8, s0;
	s9 =	sadd.s32 s9, s0  }
0xf: {  	v1 =	vor.u32 $0x1, v0;
	v2 =	vor.u32 $0x20, v0;
	v3 =	vor.u32 $0x21, v0;
	s12 =	simm.s32 $0x80;
	s8 =	sadd.s32 $0x64600, s8;
	s9 =	sadd.s32 $0x67600, s9  }
.LBB2_1:
0x10: {  	[tilespmem:s2], [sflag:$0x4] =	stream.linear.gather [hbm4b:s7+s2], $0x80, $0x38;
	[tilespmem:$0x16230] =	vst v63  }
0x11: {  	_ =	swait.ge [sflag:s11], $0x80  }
0x12: {  	[sflag:s11] =	ssyncset.done $0x0  }
0x13: {  	[sflag:s11] =	ssyncadd.s32 $0xFFFFFF80  }
0x14: {  	[tilespmem:s12], [sflag:$0x3] =	stream.indirect.gather [hbm4b:s4+s12], $0x40, s2, s12, $0xb8;
	[tilespmem:$0x16230] =	vst v63  }
0x15: {  	_ =	swait.ge [sflag:s13], $0x2000  }
0x16: {  	[sflag:s13] =	ssyncset.done $0x0  }
0x17: {  	[sflag:s13] =	ssyncadd.s32 $0xFFFFE000  }
0x18: {  	[tilespmem:s14], [sflag:$0x4] =	stream.linear.gather [hbm4b:s8+s2], $0xC00, $0x38;
	[tilespmem:$0x16230] =	vst v63  }
0x19: {  	_ =	swait.ge [sflag:s11], $0xC00  }
0x1a: {  	[sflag:s11] =	ssyncset.done $0x0  }
0x1b: {  	[sflag:s11] =	ssyncadd.s32 $0xFFFFF400  }
0x1c: {  	[tilespmem:s15], [sflag:$0x4] =	stream.linear.gather [hbm4b:s9+s2], $0xC800, $0x38;
	[tilespmem:$0x16230] =	vst v63  }
0x1d: {  	_ =	swait.ge [sflag:s11], $0xC800  }
0x1e: {  	[sflag:s11] =	ssyncset.done $0x0  }
0x1f: {  	[sflag:s11] =	ssyncadd.s32 $0xFFFF3800  }
0x20: {  	[tilespmem:s17], [sflag:$0x1] =	stream.indirect.gather [hbm4b:s5+s16], $0x20, s14, s16, $0xb8;
	[tilespmem:$0x16230] =	vst v63  }
0x21: {  	s26 =	simm.s32 $0x0  }
0x22: {  	[tilespmem:s19], [sflag:$0x1] =	stream.indirect.gather [hbm4b:s5+s18], $0x20, s15, s18, $0xb8;
	[tilespmem:$0x16230] =	vst v63  }
.LBB2_2:
0x23: {  	s28 =	sshllo.u32 s26, $0x1  }
0x24: {  	s0 =	smul.u32 $0x60, s28  }
0x25: {  	s29 =	smul.u32 $0x640, s28  }
0x26: {  	s0 =	sshra.s32 s0, $0x2  }
0x27: {  	s1 =	sshra.s32 s29, $0x2;
	s0 =	sadd.s32 $0x2080, s0  }
0x28: {  	[tilespmem:s20], [sflag:$0x2] =	stream.indirect.gather [hbm4b:s5+s16], $0x20, s0, s16, $0xb8;
	[tilespmem:$0x16230] =	vst v63  }
0x29: {  	s0 =	sadd.s32 $0x2C80, s1  }
0x2a: {  	[tilespmem:s21], [sflag:$0x2] =	stream.indirect.gather [hbm4b:s5+s18], $0x20, s0, s18, $0xb8;
	[tilespmem:$0x16230] =	vst v63  }
0x2b: {  	s1 =	sshll.u32 s26, $0x7;
	_ =	swait.ge [sflag:s22], $0x280  }
0x2c: {  	v4 =	vor.u32 s1, v0;
	[sflag:s22] =	ssyncset.done $0x0  }
0x2d: {  	v5 =	vor.u32 s1, v1;
	[sflag:s22] =	ssyncadd.s32 $0xFFFFFD80  }
0x2e: {  	_ =	swait.ge [sflag:s22], $0x3200  }
0x2f: {  	[sflag:s22] =	ssyncset.done $0x0  }
0x30: {  	v9 =	vor.u32 s1, v3;
	[sflag:s22] =	ssyncadd.s32 $0xFFFFCE00  }
0x31: {  	v6 =	vld.idx.msk [tilespmem:v4+s12+$0x0], $0xffff  }
0x32: {  	s29 =	simm.s32 $0xF580;
	v7 =	vld.idx.msk [tilespmem:v5+s12+$0x0], $0xffff  }
0x33: {  	v8 =	vor.u32 s1, v2;
	v10 =	vld [tilespmem:s29+$0xC0]  }
0x34: {  	v11 =	vld [tilespmem:s29+$0xD0]  }
0x35: {  	v5 =	vld.idx.msk [tilespmem:v9+s12+$0x0], $0xffff  }
0x36: {  	v9 =	vld [tilespmem:s29+$0x80]  }
0x37: {  	v15 =	vld [tilespmem:s29+$0x60]  }
0x38: {  	v4 =	vld.idx.msk [tilespmem:v8+s12+$0x0], $0xffff  }
0x39: {  	v21 =	vld [tilespmem:s29+$0x0]  }
0x3a: {  	v8 =	vunpack.i.l.bf16.f32 v10  }
0x3b: {  	v12 =	vld [tilespmem:s29+$0x90];
	v10 =	vunpack.i.u.bf16.f32 v10;
	v14 =	vunpack.i.u.bf16.f32 v11;
	v11 =	vunpack.i.l.bf16.f32 v11  }
0x3c: {  	v25 =	vld [tilespmem:s29+$0xFFFFFFA0];
	v16 =	vunpack.i.l.bf16.f32 v9;
	v9 =	vunpack.i.u.bf16.f32 v9;
	v19 =	vunpack.i.l.bf16.f32 v15  }
0x3d: {  	v15 =	vunpack.i.u.bf16.f32 v15;
	v13 =	vmul.f32 v8, v6;
	v8 =	vld [tilespmem:s29+$0xA0];
	v10 =	vmul.f32 v10, v7  }
0x3e: {  	v23 =	vunpack.i.l.bf16.f32 v21;
	v11 =	vmul.f32 v11, v4;
	v14 =	vmul.f32 v14, v5  }
0x3f: {  	v17 =	vld [tilespmem:s29+$0x70];
	v9 =	vmul.f32 v9, v7;
	v13 =	vadd.f32 v13, v10;
	v10 =	vmul.f32 v16, v6  }
0x40: {  	v11 =	vadd.f32 v11, v14;
	v14 =	vunpack.i.u.bf16.f32 v12;
	v12 =	vunpack.i.l.bf16.f32 v12  }
0x41: {  	v21 =	vunpack.i.u.bf16.f32 v21;
	v16 =	vld [tilespmem:s29+$0x20];
	v12 =	vmul.f32 v12, v4;
	v14 =	vmul.f32 v14, v5  }
0x42: {  	v27 =	vunpack.i.l.bf16.f32 v25;
	v19 =	vmul.f32 v19, v6;
	v18 =	vunpack.i.l.bf16.f32 v8  }
0x43: {  	v20 =	vadd.f32 v10, v9;
	v12 =	vadd.f32 v12, v14;
	v9 =	vmul.f32 v18, v6;
	v18 =	vld [tilespmem:s29+$0x30]  }
0x44: {  	v10 =	vld [tilespmem:s29+$0x40];
	v14 =	vmul.f32 v15, v7;
	v15 =	vunpack.i.u.bf16.f32 v17;
	v17 =	vunpack.i.l.bf16.f32 v17  }
0x45: {  	v13 =	vadd.f32 v11, v13;
	v17 =	vmul.f32 v17, v4;
	v15 =	vmul.f32 v15, v5  }
0x46: {  	v11 =	vunpack.i.l.bf16.f32 v16;
	v14 =	vadd.f32 v19, v14;
	v12 =	vadd.f32 v12, v20  }
0x47: {  	v19 =	vld [tilespmem:s29+$0x10];
	v16 =	vunpack.i.u.bf16.f32 v16;
	v11 =	vmul.f32 v11, v6;
	v17 =	vadd.f32 v17, v15  }
0x48: {  	v20 =	vld [tilespmem:s29+$0xFFFFFFC0];
	v15 =	vmul.f32 v16, v7;
	v16 =	vunpack.i.u.bf16.f32 v18;
	v18 =	vunpack.i.l.bf16.f32 v18  }
0x49: {  	v22 =	vunpack.i.l.bf16.f32 v10;
	v18 =	vmul.f32 v18, v4;
	v16 =	vmul.f32 v16, v5  }
0x4a: {  	v25 =	vunpack.i.u.bf16.f32 v25;
	(xrf2) =	vadd.scan.msk.f32 $0xffff, v13;
	v24 =	vadd.f32 v11, v15;
	v11 =	vmul.f32 v22, v6;
	v22 =	vld [tilespmem:s29+$0xFFFFFFD0]  }
0x4b: {  	v23 =	vmul.f32 v23, v6;
	(xrf2) =	vadd.scan.msk.f32 $0xffff, v12;
	v12 =	vmul.f32 v25, v7;
	v16 =	vadd.f32 v18, v16  }
0x4c: {  	v15 =	vld [tilespmem:s29+$0xFFFFFFE0];
	v18 =	vmul.f32 v21, v7;
	v21 =	vunpack.i.u.bf16.f32 v19;
	v19 =	vunpack.i.l.bf16.f32 v19  }
0x4d: {  	v14 =	vadd.f32 v17, v14;
	v17 =	vunpack.i.l.bf16.f32 v20;
	v19 =	vmul.f32 v19, v4  }
0x4e: {  	v21 =	vmul.f32 v21, v5;
	v18 =	vadd.f32 v23, v18;
	v23 =	vadd.f32 v16, v24;
	v24 =	vld [tilespmem:s29+$0xFFFFFFB0]  }
0x4f: {  	v17 =	vmul.f32 v17, v6;
	v16 =	vunpack.i.u.bf16.f32 v20;
	v20 =	vunpack.i.u.bf16.f32 v22  }
0x50: {  	v19 =	vadd.f32 v19, v21;
	v16 =	vmul.f32 v16, v7;
	v21 =	vunpack.i.l.bf16.f32 v22;
	v22 =	vld [tilespmem:s29+$0xFFFFFF60]  }
0x51: {  	v13 =	vld [tilespmem:s29+$0xFFFFFF70];
	v26 =	vunpack.i.l.bf16.f32 v15;
	v20 =	vmul.f32 v20, v5;
	v21 =	vmul.f32 v21, v4  }
0x52: {  	v28 =	vadd.f32 v17, v16;
	v16 =	vmul.f32 v26, v6;
	v26 =	vmul.f32 v27, v6  }
0x53: {  	(xrf2) =	vadd.scan.msk.f32 $0xffff, v14;
	v14 =	vld [tilespmem:s29+$0xFFFFFF40];
	v20 =	vadd.f32 v21, v20;
	v21 =	vunpack.i.u.bf16.f32 v24;
	v24 =	vunpack.i.l.bf16.f32 v24  }
0x54: {  	v25 =	vadd.f32 v26, v12;
	v12 =	vld [tilespmem:s29+$0xFFFFFF50];
	v24 =	vmul.f32 v24, v4;
	v21 =	vmul.f32 v21, v5  }
0x55: {  	v17 =	vld [tilespmem:s29+$0xFFFFFF80];
	v19 =	vadd.f32 v19, v18;
	v18 =	vunpack.i.l.bf16.f32 v22  }
0x56: {  	(xrf2) =	vadd.scan.msk.f32 $0xffff, v23;
	v21 =	vadd.f32 v24, v21;
	v24 =	vunpack.i.u.bf16.f32 v13;
	v13 =	vunpack.i.l.bf16.f32 v13  }
0x57: {  	v22 =	vunpack.i.u.bf16.f32 v22;
	v13 =	vmul.f32 v13, v4;
	v24 =	vmul.f32 v24, v5  }
0x58: {  	v62 =	vunpack.i.l.bf16.f32 v14;
	v18 =	vmul.f32 v18, v6;
	v22 =	vmul.f32 v22, v7  }
0x59: {  	v26 =	vld [tilespmem:s29+$0xFFFFFF00];
	v23 =	vunpack.i.l.bf16.f32 v12;
	v24 =	vadd.f32 v13, v24;
	v13 =	vunpack.i.u.bf16.f32 v12;
	v12, _, _ =	vpop (xrf2);
	(xrf2) =	vadd.scan.msk.f32 $0xffff, v19  }
0x5a: {  	v14 =	vunpack.i.u.bf16.f32 v14;
	v20 =	vadd.f32 v20, v28;
	v27 =	vunpack.i.l.bf16.f32 v17  }
0x5b: {  	v14 =	vmul.f32 v14, v7;
	v22 =	vadd.f32 v18, v22;
	v18 =	vmul.f32 v27, v6;
	v19 =	vld [tilespmem:s29+$0xFFFFFF10]  }
0x5c: {  	v27 =	vmul.f32 v62, v6;
	v29 =	vmul.f32 v13, v5;
	v13, _, _ =	vpop (xrf2);
	(xrf2) =	vadd.scan.msk.f32 $0xffff, v20  }
0x5d: {  	v30 =	vadd.f32 v21, v25;
	v21 =	vld [tilespmem:s29+$0xFFFFFF20];
	v63 =	vmul.f32 v23, v4  }
0x5e: {  	v25 =	vunpack.i.l.bf16.f32 v26;
	v26 =	vunpack.i.u.bf16.f32 v26;
	v23 =	vadd.f32 v27, v14  }
0x5f: {  	s30 =	sshll.u32 s26, $0x1;
	s31 =	simm.s32 $0x0;
	s0 =	simm.s32 $0x40;
	v20 =	vadd.f32 v24, v22;
	v24 =	vmul.f32 v25, v6;
	v22 =	vld [tilespmem:s29+$0xFFFFFF30];
	v25 =	vadd.f32 v63, v29;
	v14, _, _ =	vpop (xrf2);
	(xrf2) =	vadd.scan.msk.f32 $0xffff, v30  }
.LBB2_3:
0x60: {  	p0 =	sne.s32 s0, $0x680;
	v31 =	vmul.f32 v26, v7;
	v27 =	vunpack.i.u.bf16.f32 v19;
	v28 =	vunpack.i.l.bf16.f32 v19;
	v19, _, _ =	vpop (xrf2)  }
0x61: {  	v28 =	vmul.f32 v28, v4;
	v27 =	vmul.f32 v27, v5;
	v29 =	vld [tilespmem:s29+$0xFFFFFF90]  }
0x62: {  	v23 =	vadd.f32 v25, v23;
	v24 =	vadd.f32 v24, v31;
	v30 =	vunpack.i.l.bf16.f32 v21;
	(xrf2) =	vadd.scan.msk.f32 $0xffff, v20  }
0x63: {  	v21 =	vunpack.i.u.bf16.f32 v21;
	v20 =	vadd.f32 v28, v27;
	v25 =	vmul.f32 v30, v6;
	v26, _, _ =	vpop (xrf2)  }
0x64: {  	v21 =	vmul.f32 v21, v7;
	v27 =	vunpack.i.u.bf16.f32 v22;
	v22 =	vunpack.i.l.bf16.f32 v22;
	v28 =	vld [tilespmem:s29+$0xFFFFFFF0]  }
0x65: {  	v17 =	vunpack.i.u.bf16.f32 v17;
	v22 =	vmul.f32 v22, v4;
	v27 =	vmul.f32 v27, v5;
	(xrf2) =	vadd.scan.msk.f32 $0xffff, v23  }
0x66: {  	v17 =	vmul.f32 v17, v7;
	v20 =	vadd.f32 v20, v24;
	v23 =	vunpack.i.u.bf16.f32 v29;
	v24, _, _ =	vpop (xrf2)  }
0x67: {  	v21 =	vadd.f32 v25, v21;
	v25 =	vunpack.i.l.bf16.f32 v29;
	v30 =	vadd.f32 v22, v27;
	v27 =	vld [tilespmem:s29+$0x50]  }
0x68: {  	v15 =	vunpack.i.u.bf16.f32 v15;
	v25 =	vmul.f32 v25, v4;
	v23 =	vmul.f32 v23, v5;
	(xrf2) =	vadd.scan.msk.f32 $0xffff, v20  }
0x69: {  	v15 =	vmul.f32 v15, v7;
	v29 =	vadd.f32 v30, v21;
	v21 =	vunpack.i.u.bf16.f32 v28;
	v22, _, _ =	vpop (xrf2)  }
0x6a: {  	v17 =	vadd.f32 v18, v17;
	v18 =	vadd.f32 v25, v23;
	v23 =	vunpack.i.l.bf16.f32 v28;
	v25 =	vld [tilespmem:s29+$0xB0]  }
0x6b: {  	v10 =	vunpack.i.u.bf16.f32 v10;
	v23 =	vmul.f32 v23, v4;
	v21 =	vmul.f32 v21, v5;
	(xrf2) =	vadd.scan.msk.f32 $0xffff, v29  }
0x6c: {  	v10 =	vmul.f32 v10, v7;
	v17 =	vadd.f32 v18, v17;
	v18 =	vunpack.i.u.bf16.f32 v27;
	v20, _, _ =	vpop (xrf2)  }
0x6d: {  	v15 =	vadd.f32 v16, v15;
	v16 =	vadd.f32 v23, v21;
	v21 =	vunpack.i.l.bf16.f32 v27;
	v23 =	vld [tilespmem:s29+$0xE0]  }
0x6e: {  	v8 =	vunpack.i.u.bf16.f32 v8;
	v21 =	vmul.f32 v21, v4;
	v18 =	vmul.f32 v18, v5;
	(xrf2) =	vadd.scan.msk.f32 $0xffff, v17  }
0x6f: {  	v8 =	vmul.f32 v8, v7;
	v15 =	vadd.f32 v16, v15;
	v16 =	vunpack.i.u.bf16.f32 v25;
	v17 =	vld [tilespmem:s29+$0xF0];
	v27, _, _ =	vpop (xrf2)  }
0x70: {  	v10 =	vadd.f32 v11, v10;
	v11 =	vadd.f32 v21, v18;
	v18 =	vunpack.i.l.bf16.f32 v25  }
0x71: {  	v18 =	vmul.f32 v18, v4;
	v16 =	vmul.f32 v16, v5;
	(xrf2) =	vadd.scan.msk.f32 $0xffff, v15  }
0x72: {  	v10 =	vadd.f32 v11, v10;
	v11 =	vunpack.i.u.bf16.f32 v23;
	v15 =	vunpack.i.l.bf16.f32 v23;
	v21, _, _ =	vpop (xrf2)  }
0x73: {  	v8 =	vadd.f32 v9, v8;
	v9 =	vadd.f32 v18, v16;
	v15 =	vmul.f32 v15, v6  }
0x74: {  	v11 =	vmul.f32 v11, v7;
	v18 =	vunpack.i.u.bf16.f32 v17;
	v17 =	vunpack.i.l.bf16.f32 v17;
	(xrf2) =	vadd.scan.msk.f32 $0xffff, v10  }
0x75: {  	v8 =	vadd.f32 v9, v8;
	v9 =	vmul.f32 v17, v4;
	v10 =	vmul.f32 v18, v5;
	v16, _, _ =	vpop (xrf2)  }
0x76: {  	v17 =	vbroadcast v21, $0xF;
	v16 =	vbroadcast v16, $0xF  }
0x77: {  	v18 =	vbroadcast v27, $0xF;
	v11 =	vadd.f32 v15, v11;
	v9 =	vadd.f32 v9, v10;
	(xrf2) =	vadd.scan.msk.f32 $0xffff, v8  }
0x78: {  	v10 =	vbroadcast v20, $0xF;
	v8 =	vsel vm0, v17, v16;
	v15, _, _ =	vpop (xrf2)  }
0x79: {  	v8 =	vsel vm1, v8, v18;
	v16 =	vbroadcast v15, $0xF;
	v9 =	vadd.f32 v9, v11  }
0x7a: {  	v8 =	vsel vm2, v8, v10;
	v10 =	vbroadcast v22, $0xF  }
0x7b: {  	v8 =	vsel vm3, v8, v16;
	v16 =	vbroadcast v24, $0xF;
	v15, _, _ =	vpop (xrf2);
	(xrf2) =	vadd.scan.msk.f32 $0xffff, v9  }
0x7c: {  	v8 =	vsel vm4, v8, v10;
	v9 =	vbroadcast v15, $0xF  }
0x7d: {  	v10 =	vbroadcast v26, $0xF;
	v8 =	vsel vm5, v8, v16  }
0x7e: {  	v8 =	vsel vm6, v8, v9;
	v9 =	vbroadcast v19, $0xF;
	v11, _, _ =	vpop (xrf2)  }
0x7f: {  	v8 =	vsel vm7, v8, v10;
	v10 =	vbroadcast v11, $0xF  }
0x80: {  	v8 =	vsel vm8, v8, v9;
	v9 =	vbroadcast v14, $0xF  }
0x81: {  	v8 =	vsel vm9, v8, v10;
	v10 =	vbroadcast v13, $0xF;
	v11, _, _ =	vpop (xrf2)  }
0x82: {  	v8 =	vsel vm10, v8, v9;
	v11 =	vbroadcast v11, $0xF  }
0x83: {  	v8 =	vsel vm11, v8, v10;
	v10 =	vbroadcast v12, $0xF  }
0x84: {  	v8 =	vsel vm12, v8, v11  }
0x85: {  	v8 =	vsel vm13, v8, v10;
	v9, _, _ =	vpop (xrf2)  }
0x86: {  	s1 =	sshra.s32 s31, $0x2;
	s31 =	smov.u32 s0;
	v8 =	vsel vm14, v8, v9  }
0x87: {  	s29 =	sadd.s32 $0x200, s29;
	[tilespmem:s1+$0x16080] =	vst v8  }
0x88: {  	v8 =	vld [tilespmem:s29+$0xC0];
	_ =	sdelay $0x1  }
0x89: {  	v9 =	vld [tilespmem:s29+$0xD0];
	_ =	sdelay $0x1  }
0x8a: {  	v10 =	vld [tilespmem:s29+$0x80]  }
0x8b: {  	v11 =	vunpack.i.l.bf16.f32 v8  }
0x8c: {  	v13 =	vunpack.i.u.bf16.f32 v8;
	v12 =	vld [tilespmem:s29+$0x90];
	v11 =	vmul.f32 v11, v6  }
0x8d: {  	v13 =	vmul.f32 v13, v7;
	v8 =	vld [tilespmem:s29+$0xA0];
	v14 =	vunpack.i.u.bf16.f32 v9;
	v9 =	vunpack.i.l.bf16.f32 v9  }
0x8e: {  	v15 =	vld [tilespmem:s29+$0x60];
	v9 =	vmul.f32 v9, v4;
	v14 =	vmul.f32 v14, v5  }
0x8f: {  	v11 =	vadd.f32 v11, v13;
	v16 =	vunpack.i.l.bf16.f32 v10  }
0x90: {  	v10 =	vunpack.i.u.bf16.f32 v10;
	v13 =	vld [tilespmem:s29+$0x70];
	v16 =	vmul.f32 v16, v6;
	v14 =	vadd.f32 v9, v14  }
0x91: {  	v9 =	vmul.f32 v10, v7;
	v10 =	vunpack.i.u.bf16.f32 v12;
	v12 =	vunpack.i.l.bf16.f32 v12  }
0x92: {  	v17 =	vld [tilespmem:s29+$0x20];
	v12 =	vmul.f32 v12, v4;
	v10 =	vmul.f32 v10, v5;
	v18 =	vunpack.i.l.bf16.f32 v8  }
0x93: {  	v16 =	vadd.f32 v16, v9;
	v19 =	vunpack.i.l.bf16.f32 v15;
	v9 =	vmul.f32 v18, v6  }
0x94: {  	v15 =	vunpack.i.u.bf16.f32 v15;
	v18 =	vld [tilespmem:s29+$0x30];
	v19 =	vmul.f32 v19, v6;
	v12 =	vadd.f32 v12, v10  }
0x95: {  	v15 =	vmul.f32 v15, v7;
	v10 =	vld [tilespmem:s29+$0x40];
	v20 =	vunpack.i.u.bf16.f32 v13;
	v13 =	vunpack.i.l.bf16.f32 v13  }
0x96: {  	v14 =	vadd.f32 v14, v11;
	v21 =	vld [tilespmem:s29+$0x0];
	v13 =	vmul.f32 v13, v4;
	v20 =	vmul.f32 v20, v5  }
0x97: {  	v19 =	vadd.f32 v19, v15;
	v12 =	vadd.f32 v12, v16;
	v11 =	vunpack.i.l.bf16.f32 v17  }
0x98: {  	v15 =	vunpack.i.u.bf16.f32 v17;
	v16 =	vld [tilespmem:s29+$0x10];
	v11 =	vmul.f32 v11, v6;
	v13 =	vadd.f32 v13, v20  }
0x99: {  	v15 =	vmul.f32 v15, v7;
	v17 =	vunpack.i.u.bf16.f32 v18;
	v18 =	vunpack.i.l.bf16.f32 v18  }
0x9a: {  	v20 =	vld [tilespmem:s29+$0xFFFFFFC0];
	v18 =	vmul.f32 v18, v4;
	v17 =	vmul.f32 v17, v5;
	v22 =	vunpack.i.l.bf16.f32 v10  }
0x9b: {  	v24 =	vadd.f32 v11, v15;
	v23 =	vunpack.i.l.bf16.f32 v21;
	v11 =	vmul.f32 v22, v6  }
0x9c: {  	v21 =	vunpack.i.u.bf16.f32 v21;
	v22 =	vld [tilespmem:s29+$0xFFFFFFD0];
	v23 =	vmul.f32 v23, v6;
	v17 =	vadd.f32 v18, v17  }
0x9d: {  	v18 =	vmul.f32 v21, v7;
	v15 =	vld [tilespmem:s29+$0xFFFFFFE0];
	v21 =	vunpack.i.u.bf16.f32 v16;
	v16 =	vunpack.i.l.bf16.f32 v16  }
0x9e: {  	v13 =	vadd.f32 v13, v19;
	v25 =	vld [tilespmem:s29+$0xFFFFFFA0];
	v16 =	vmul.f32 v16, v4;
	v21 =	vmul.f32 v21, v5;
	(xrf2) =	vadd.scan.msk.f32 $0xffff, v14  }
0x9f: {  	v18 =	vadd.f32 v23, v18;
	v19 =	vadd.f32 v17, v24;
	v14 =	vunpack.i.l.bf16.f32 v20  }
0xa0: {  	v17 =	vunpack.i.u.bf16.f32 v20;
	v23 =	vld [tilespmem:s29+$0xFFFFFFB0];
	v14 =	vmul.f32 v14, v6;
	v20 =	vadd.f32 v16, v21  }
0xa1: {  	v16 =	vmul.f32 v17, v7;
	v17 =	vunpack.i.u.bf16.f32 v22;
	v21 =	vunpack.i.l.bf16.f32 v22;
	(xrf2) =	vadd.scan.msk.f32 $0xffff, v12  }
0xa2: {  	v12 =	vld [tilespmem:s29+$0xFFFFFF60];
	v21 =	vmul.f32 v21, v4;
	v17 =	vmul.f32 v17, v5;
	v22 =	vunpack.i.l.bf16.f32 v15  }
0xa3: {  	v14 =	vadd.f32 v14, v16;
	v24 =	vunpack.i.l.bf16.f32 v25;
	v16 =	vmul.f32 v22, v6  }
0xa4: {  	v25 =	vunpack.i.u.bf16.f32 v25;
	v22 =	vld [tilespmem:s29+$0xFFFFFF70];
	v24 =	vmul.f32 v24, v6;
	v21 =	vadd.f32 v21, v17;
	(xrf2) =	vadd.scan.msk.f32 $0xffff, v13  }
0xa5: {  	v13 =	vmul.f32 v25, v7;
	v17 =	vld [tilespmem:s29+$0xFFFFFF80];
	v25 =	vunpack.i.u.bf16.f32 v23;
	v23 =	vunpack.i.l.bf16.f32 v23  }
0xa6: {  	v18 =	vadd.f32 v20, v18;
	v26 =	vld [tilespmem:s29+$0xFFFFFF40];
	v23 =	vmul.f32 v23, v4;
	v25 =	vmul.f32 v25, v5  }
0xa7: {  	v24 =	vadd.f32 v24, v13;
	v14 =	vadd.f32 v21, v14;
	v20 =	vunpack.i.l.bf16.f32 v12;
	(xrf2) =	vadd.scan.msk.f32 $0xffff, v19  }
0xa8: {  	v13 =	vunpack.i.u.bf16.f32 v12;
	v21 =	vld [tilespmem:s29+$0xFFFFFF50];
	v19 =	vmul.f32 v20, v6;
	v20 =	vadd.f32 v23, v25;
	v12, _, _ =	vpop (xrf2)  }
0xa9: {  	v30 =	vmul.f32 v13, v7;
	v23 =	vunpack.i.u.bf16.f32 v22;
	v22 =	vunpack.i.l.bf16.f32 v22  }
0xaa: {  	v25 =	vld [tilespmem:s29+$0xFFFFFF00];
	v22 =	vmul.f32 v22, v4;
	v23 =	vmul.f32 v23, v5;
	v27 =	vunpack.i.l.bf16.f32 v17;
	(xrf2) =	vadd.scan.msk.f32 $0xffff, v18  }
0xab: {  	v29 =	vadd.f32 v19, v30;
	v28 =	vunpack.i.l.bf16.f32 v26;
	v18 =	vmul.f32 v27, v6;
	v13, _, _ =	vpop (xrf2)  }
.Ltmp0:
0xac: {  	v26 =	vunpack.i.u.bf16.f32 v26;
	v19 =	vld [tilespmem:s29+$0xFFFFFF10];
	v27 =	vmul.f32 v28, v6;
	v22 =	vadd.f32 v22, v23;
	(pc) =	sbr.rel @p0 .LBB2_3-.Ltmp0, $4  }
0xad: {  	v23 =	vmul.f32 v26, v7;
	v26 =	vunpack.i.u.bf16.f32 v21;
	v28 =	vunpack.i.l.bf16.f32 v21;
	(xrf2) =	vadd.scan.msk.f32 $0xffff, v14  }
0xae: {  	v31 =	vadd.f32 v20, v24;
	v21 =	vld [tilespmem:s29+$0xFFFFFF20];
	v28 =	vmul.f32 v28, v4;
	v30 =	vmul.f32 v26, v5;
	v14, _, _ =	vpop (xrf2)  }
0xaf: {  	v23 =	vadd.f32 v27, v23;
	v20 =	vadd.f32 v22, v29;
	v24 =	vunpack.i.l.bf16.f32 v25  }
0xb0: {  	s0 =	sadd.s32 $0x40, s0;
	v26 =	vunpack.i.u.bf16.f32 v25;
	v24 =	vmul.f32 v24, v6;
	v22 =	vld [tilespmem:s29+$0xFFFFFF30];
	v25 =	vadd.f32 v28, v30;
	(xrf2) =	vadd.scan.msk.f32 $0xffff, v31  }
0xb1: {  	v26 =	vmul.f32 v26, v7  }
0xb2: {  	v27 =	vunpack.i.u.bf16.f32 v19;
	v19 =	vunpack.i.l.bf16.f32 v19;
	v17 =	vunpack.i.u.bf16.f32 v17  }
0xb3: {  	v28 =	vld [tilespmem:s29+$0xFFFFFF90];
	v19 =	vmul.f32 v19, v4;
	v27 =	vmul.f32 v27, v5;
	v23 =	vadd.f32 v25, v23  }
0xb4: {  	v17 =	vmul.f32 v17, v7;
	v24 =	vadd.f32 v24, v26;
	v26 =	vunpack.i.l.bf16.f32 v21  }
0xb5: {  	v21 =	vunpack.i.u.bf16.f32 v21;
	v19 =	vadd.f32 v19, v27;
	v25 =	vmul.f32 v26, v6  }
0xb6: {  	v21 =	vmul.f32 v21, v7;
	v26 =	vunpack.i.u.bf16.f32 v22;
	v22 =	vunpack.i.l.bf16.f32 v22  }
0xb7: {  	v27 =	vld [tilespmem:s29+$0xFFFFFFF0];
	v22 =	vmul.f32 v22, v4;
	v26 =	vmul.f32 v26, v5;
	v19 =	vadd.f32 v19, v24  }
0xb8: {  	v24 =	vunpack.i.u.bf16.f32 v28;
	v21 =	vadd.f32 v25, v21;
	v25 =	vunpack.i.l.bf16.f32 v28  }
0xb9: {  	(xrf2) =	vadd.scan.msk.f32 $0xffff, v20;
	v20 =	vmul.f32 v25, v4;
	v24 =	vmul.f32 v24, v5  }
0xba: {  	v15 =	vunpack.i.u.bf16.f32 v15;
	v22 =	vadd.f32 v22, v26;
	v26 =	vld [tilespmem:s29+$0x50]  }
0xbb: {  	v15 =	vmul.f32 v15, v7;
	(xrf2) =	vadd.scan.msk.f32 $0xffff, v23;
	v17 =	vadd.f32 v18, v17;
	v18 =	vadd.f32 v20, v24  }
0xbc: {  	(xrf2) =	vadd.scan.msk.f32 $0xffff, v19;
	v19 =	vunpack.i.l.bf16.f32 v27;
	v21 =	vadd.f32 v22, v21;
	v22 =	vunpack.i.u.bf16.f32 v27  }
0xbd: {  	v10 =	vunpack.i.u.bf16.f32 v10;
	v20 =	vld [tilespmem:s29+$0xB0];
	v19 =	vmul.f32 v19, v4;
	v22 =	vmul.f32 v22, v5  }
0xbe: {  	v10 =	vmul.f32 v10, v7;
	v15 =	vadd.f32 v16, v15;
	v17 =	vadd.f32 v18, v17  }
0xbf: {  	v18 =	vunpack.i.u.bf16.f32 v26;
	v16 =	vadd.f32 v19, v22;
	v19 =	vunpack.i.l.bf16.f32 v26  }
0xc0: {  	v8 =	vunpack.i.u.bf16.f32 v8;
	(xrf2) =	vadd.scan.msk.f32 $0xffff, v21;
	v19 =	vmul.f32 v19, v4;
	v18 =	vmul.f32 v18, v5  }
0xc1: {  	v8 =	vmul.f32 v8, v7;
	v10 =	vadd.f32 v11, v10;
	v22, _, _ =	vpop (xrf2);
	(xrf2) =	vadd.scan.msk.f32 $0xffff, v17;
	v15 =	vadd.f32 v16, v15  }
0xc2: {  	v21 =	vld [tilespmem:s29+$0xE0];
	v16 =	vunpack.i.u.bf16.f32 v20;
	v11 =	vadd.f32 v19, v18;
	v18 =	vunpack.i.l.bf16.f32 v20  }
0xc3: {  	v23 =	vld [tilespmem:s29+$0xF0];
	v16 =	vmul.f32 v16, v5;
	v18 =	vmul.f32 v18, v4  }
0xc4: {  	v17, _, _ =	vpop (xrf2)  }
0xc5: {  	v8 =	vadd.f32 v9, v8;
	v24, _, _ =	vpop (xrf2);
	v9 =	vadd.f32 v18, v16  }
0xc6: {  	(xrf2) =	vadd.scan.msk.f32 $0xffff, v15;
	v19, _, _ =	vpop (xrf2)  }
0xc7: {  	v20 =	vunpack.i.l.bf16.f32 v21;
	v10 =	vadd.f32 v11, v10;
	v15, _, _ =	vpop (xrf2);
	v8 =	vadd.f32 v9, v8  }
0xc8: {  	v11 =	vunpack.i.u.bf16.f32 v21;
	v6 =	vmul.f32 v20, v6;
	v18 =	vunpack.i.l.bf16.f32 v23;
	v21, _, _ =	vpop (xrf2)  }
0xc9: {  	v7 =	vmul.f32 v11, v7;
	v11 =	vunpack.i.u.bf16.f32 v23;
	(xrf2) =	vadd.scan.msk.f32 $0xffff, v10;
	v4 =	vmul.f32 v18, v4;
	v16, _, _ =	vpop (xrf2)  }
0xca: {  	v5 =	vmul.f32 v11, v5;
	v11 =	vbroadcast v21, $0xF;
	v9, _, _ =	vpop (xrf2)  }
0xcb: {  	v10 =	vbroadcast v16, $0xF;
	(xrf2) =	vadd.scan.msk.f32 $0xffff, v8;
	v9 =	vbroadcast v9, $0xF;
	v8, _, _ =	vpop (xrf2)  }
0xcc: {  	v6 =	vadd.f32 v6, v7;
	v4 =	vadd.f32 v4, v5;
	v8 =	vbroadcast v8, $0xF  }
0xcd: {  	v7 =	vbroadcast v15, $0xF;
	v5 =	vsel vm0, v10, v9  }
0xce: {  	v4 =	vadd.f32 v4, v6;
	v5 =	vsel vm1, v5, v11  }
0xcf: {  	v6 =	vbroadcast v19, $0xF;
	v5 =	vsel vm2, v5, v7;
	v7 =	vbroadcast v24, $0xF  }
0xd0: {  	v5 =	vsel vm3, v5, v8;
	v8, _, _ =	vpop (xrf2)  }
0xd1: {  	(xrf2) =	vadd.scan.msk.f32 $0xffff, v4;
	v4 =	vsel vm4, v5, v6;
	v5 =	vbroadcast v8, $0xF  }
0xd2: {  	v6 =	vbroadcast v17, $0xF;
	v4 =	vsel vm5, v4, v7  }
0xd3: {  	v7, _, _ =	vpop (xrf2);
	v4 =	vsel vm6, v4, v5;
	v5 =	vbroadcast v22, $0xF  }
0xd4: {  	v4 =	vsel vm7, v4, v6;
	v6 =	vbroadcast v7, $0xF  }
0xd5: {  	v4 =	vsel vm8, v4, v5;
	v5 =	vbroadcast v14, $0xF  }
0xd6: {  	v7, _, _ =	vpop (xrf2);
	v4 =	vsel vm9, v4, v6  }
0xd7: {  	v6 =	vbroadcast v13, $0xF;
	v4 =	vsel vm10, v4, v5;
	v5 =	vbroadcast v7, $0xF;
	_ =	sdelay $0x1  }
0xd8: {  	v4 =	vsel vm11, v4, v6;
	v6 =	vbroadcast v12, $0xF  }
0xd9: {  	s0 =	sadd.s32 s3, s30;
	v4 =	vsel vm12, v4, v5  }
0xda: {  	s0 =	smul.u32 $0x36, s0;
	v4 =	vsel vm13, v4, v6;
	v5, _, _ =	vpop (xrf2)  }
0xdb: {  	s1 =	sshra.s32 s31, $0x2;
	v4 =	vsel vm14, v4, v5  }
0xdc: {  	p0 =	seq.s32 s26, $0x3F;
	s0 =	sadd.s32 s6, s0;
	[tilespmem:s1+$0x16080] =	vst v4  }
0xdd: {  	[hbm4b:s0+s2] =	stream.linear.scatter [tilespmem:s23], [sflag:$0x4], $0x1B0, $0x38;
	[tilespmem:$0x16230] =	vst v63  }
0xde: {  	s0 =	sadd.s32 @!p0 $0x2, s30  }
0xdf: {  	s1 =	smul.u32 @!p0 $0x60, s0  }
0xe0: {  	s29 =	simm.s32 @!p0 $0x14;
	_ =	swait.ge [sflag:s11], $0x1B0;
	s0 =	smul.u32 @!p0 $0x640, s0  }
0xe1: {  	s30 =	simm.s32 @!p0 $0xF480;
	[sflag:s11] =	ssyncset.done $0x0;
	s1 =	sshra.s32 @!p0 s1, $0x2  }
0xe2: {  	[sflag:s11] =	ssyncadd.s32 $0xFFFFFE50;
	s0 =	sshra.s32 @!p0 s0, $0x2;
	s1 =	sadd.s32 @!p0 $0x2080, s1  }
0xe3: {  	[tilespmem:s30], [sflag:$0x1] =	stream.indirect.gather @!p0 [hbm4b:s5+s29], $0x20, s1, s29, $0xb8;
	[tilespmem:$0x16230] =	vst v63  }
0xe4: {  	s0 =	sadd.s32 @!p0 $0x2C80, s0;
	s1 =	simm.s32 @!p0 $0x190;
	s29 =	simm.s32 @!p0 $0xF700  }
0xe5: {  	[tilespmem:s29], [sflag:$0x1] =	stream.indirect.gather @!p0 [hbm4b:s5+s1], $0x20, s0, s1, $0xb8;
	[tilespmem:$0x16230] =	vst v63  }
0xe6: {  	s31 =	sshll.u32 s28, $0x6;
	_ =	swait.ge [sflag:s24], $0x280  }
0xe7: {  	v4 =	vor.u32 s31, v0;
	[sflag:s24] =	ssyncset.done $0x0  }
0xe8: {  	v5 =	vor.u32 s31, v1;
	[sflag:s24] =	ssyncadd.s32 $0xFFFFFD80  }
0xe9: {  	_ =	swait.ge [sflag:s24], $0x3200  }
0xea: {  	[sflag:s24] =	ssyncset.done $0x0  }
0xeb: {  	v9 =	vor.u32 s31, v3;
	[sflag:s24] =	ssyncadd.s32 $0xFFFFCE00  }
0xec: {  	v6 =	vld.idx.msk [tilespmem:v4+s12+$0x0], $0xffff  }
0xed: {  	s29 =	simm.s32 $0x12C70;
	v7 =	vld.idx.msk [tilespmem:v5+s12+$0x0], $0xffff  }
0xee: {  	v8 =	vor.u32 s31, v2;
	v10 =	vld [tilespmem:s29+$0xFFFFFFD0]  }
0xef: {  	v11 =	vld [tilespmem:s29+$0xFFFFFFE0]  }
0xf0: {  	v5 =	vld.idx.msk [tilespmem:v9+s12+$0x0], $0xffff  }
0xf1: {  	v9 =	vld [tilespmem:s29+$0xFFFFFF90]  }
0xf2: {  	v15 =	vld [tilespmem:s29+$0xFFFFFF70]  }
0xf3: {  	v4 =	vld.idx.msk [tilespmem:v8+s12+$0x0], $0xffff  }
0xf4: {  	v21 =	vld [tilespmem:s29+$0xFFFFFF10]  }
0xf5: {  	v8 =	vunpack.i.l.bf16.f32 v10  }
0xf6: {  	v12 =	vld [tilespmem:s29+$0xFFFFFFA0];
	v10 =	vunpack.i.u.bf16.f32 v10;
	v14 =	vunpack.i.u.bf16.f32 v11;
	v11 =	vunpack.i.l.bf16.f32 v11  }
0xf7: {  	v25 =	vld [tilespmem:s29+$0xFFFFFEB0];
	v16 =	vunpack.i.l.bf16.f32 v9;
	v9 =	vunpack.i.u.bf16.f32 v9;
	v19 =	vunpack.i.l.bf16.f32 v15  }
0xf8: {  	v15 =	vunpack.i.u.bf16.f32 v15;
	v13 =	vmul.f32 v8, v6;
	v8 =	vld [tilespmem:s29+$0xFFFFFFB0];
	v10 =	vmul.f32 v10, v7  }
0xf9: {  	v23 =	vunpack.i.l.bf16.f32 v21;
	v11 =	vmul.f32 v11, v4;
	v14 =	vmul.f32 v14, v5  }
0xfa: {  	v17 =	vld [tilespmem:s29+$0xFFFFFF80];
	v9 =	vmul.f32 v9, v7;
	v13 =	vadd.f32 v13, v10;
	v10 =	vmul.f32 v16, v6  }
0xfb: {  	v11 =	vadd.f32 v11, v14;
	v14 =	vunpack.i.u.bf16.f32 v12;
	v12 =	vunpack.i.l.bf16.f32 v12  }
0xfc: {  	v21 =	vunpack.i.u.bf16.f32 v21;
	v16 =	vld [tilespmem:s29+$0xFFFFFF30];
	v12 =	vmul.f32 v12, v4;
	v14 =	vmul.f32 v14, v5  }
0xfd: {  	v27 =	vunpack.i.l.bf16.f32 v25;
	v19 =	vmul.f32 v19, v6;
	v18 =	vunpack.i.l.bf16.f32 v8  }
0xfe: {  	v20 =	vadd.f32 v10, v9;
	v12 =	vadd.f32 v12, v14;
	v9 =	vmul.f32 v18, v6;
	v18 =	vld [tilespmem:s29+$0xFFFFFF40]  }
0xff: {  	v10 =	vld [tilespmem:s29+$0xFFFFFF50];
	v14 =	vmul.f32 v15, v7;
	v15 =	vunpack.i.u.bf16.f32 v17;
	v17 =	vunpack.i.l.bf16.f32 v17  }
0x100: {  	v13 =	vadd.f32 v11, v13;
	v17 =	vmul.f32 v17, v4;
	v15 =	vmul.f32 v15, v5  }
0x101: {  	v11 =	vunpack.i.l.bf16.f32 v16;
	v14 =	vadd.f32 v19, v14;
	v12 =	vadd.f32 v12, v20  }
0x102: {  	v19 =	vld [tilespmem:s29+$0xFFFFFF20];
	v16 =	vunpack.i.u.bf16.f32 v16;
	v11 =	vmul.f32 v11, v6;
	v17 =	vadd.f32 v17, v15  }
0x103: {  	v20 =	vld [tilespmem:s29+$0xFFFFFED0];
	v15 =	vmul.f32 v16, v7;
	v16 =	vunpack.i.u.bf16.f32 v18;
	v18 =	vunpack.i.l.bf16.f32 v18  }
0x104: {  	v22 =	vunpack.i.l.bf16.f32 v10;
	v18 =	vmul.f32 v18, v4;
	v16 =	vmul.f32 v16, v5  }
0x105: {  	v25 =	vunpack.i.u.bf16.f32 v25;
	(xrf2) =	vadd.scan.msk.f32 $0xffff, v13;
	v24 =	vadd.f32 v11, v15;
	v11 =	vmul.f32 v22, v6;
	v22 =	vld [tilespmem:s29+$0xFFFFFEE0]  }
0x106: {  	v23 =	vmul.f32 v23, v6;
	(xrf2) =	vadd.scan.msk.f32 $0xffff, v12;
	v12 =	vmul.f32 v25, v7;
	v16 =	vadd.f32 v18, v16  }
0x107: {  	v15 =	vld [tilespmem:s29+$0xFFFFFEF0];
	v18 =	vmul.f32 v21, v7;
	v21 =	vunpack.i.u.bf16.f32 v19;
	v19 =	vunpack.i.l.bf16.f32 v19  }
0x108: {  	v14 =	vadd.f32 v17, v14;
	v17 =	vunpack.i.l.bf16.f32 v20;
	v19 =	vmul.f32 v19, v4  }
0x109: {  	v21 =	vmul.f32 v21, v5;
	v18 =	vadd.f32 v23, v18;
	v23 =	vadd.f32 v16, v24;
	v24 =	vld [tilespmem:s29+$0xFFFFFEC0]  }
0x10a: {  	v17 =	vmul.f32 v17, v6;
	v16 =	vunpack.i.u.bf16.f32 v20;
	v20 =	vunpack.i.u.bf16.f32 v22  }
0x10b: {  	v19 =	vadd.f32 v19, v21;
	v16 =	vmul.f32 v16, v7;
	v21 =	vunpack.i.l.bf16.f32 v22;
	v22 =	vld [tilespmem:s29+$0xFFFFFE70]  }
0x10c: {  	v13 =	vld [tilespmem:s29+$0xFFFFFE80];
	v26 =	vunpack.i.l.bf16.f32 v15;
	v20 =	vmul.f32 v20, v5;
	v21 =	vmul.f32 v21, v4  }
0x10d: {  	v61 =	vadd.f32 v17, v16;
	v16 =	vmul.f32 v26, v6;
	v26 =	vmul.f32 v27, v6  }
0x10e: {  	(xrf2) =	vadd.scan.msk.f32 $0xffff, v14;
	v14 =	vld [tilespmem:s29+$0xFFFFFE50];
	v20 =	vadd.f32 v21, v20;
	v21 =	vunpack.i.u.bf16.f32 v24;
	v24 =	vunpack.i.l.bf16.f32 v24  }
0x10f: {  	v25 =	vadd.f32 v26, v12;
	v12 =	vld [tilespmem:s29+$0xFFFFFE60];
	v24 =	vmul.f32 v24, v4;
	v21 =	vmul.f32 v21, v5  }
0x110: {  	v17 =	vld [tilespmem:s29+$0xFFFFFE90];
	v19 =	vadd.f32 v19, v18;
	v18 =	vunpack.i.l.bf16.f32 v22  }
0x111: {  	(xrf2) =	vadd.scan.msk.f32 $0xffff, v23;
	v21 =	vadd.f32 v24, v21;
	v24 =	vunpack.i.u.bf16.f32 v13;
	v13 =	vunpack.i.l.bf16.f32 v13  }
0x112: {  	v22 =	vunpack.i.u.bf16.f32 v22;
	v13 =	vmul.f32 v13, v4;
	v24 =	vmul.f32 v24, v5  }
0x113: {  	v62 =	vunpack.i.l.bf16.f32 v14;
	v18 =	vmul.f32 v18, v6;
	v22 =	vmul.f32 v22, v7  }
0x114: {  	v26 =	vld [tilespmem:s29+$0xFFFFFE10];
	v23 =	vunpack.i.l.bf16.f32 v12;
	v24 =	vadd.f32 v13, v24;
	v13 =	vunpack.i.u.bf16.f32 v12;
	v12, _, _ =	vpop (xrf2);
	(xrf2) =	vadd.scan.msk.f32 $0xffff, v19  }
0x115: {  	v14 =	vunpack.i.u.bf16.f32 v14;
	v20 =	vadd.f32 v20, v61;
	v27 =	vunpack.i.l.bf16.f32 v17  }
0x116: {  	v14 =	vmul.f32 v14, v7;
	v22 =	vadd.f32 v18, v22;
	v18 =	vmul.f32 v27, v6;
	v19 =	vld [tilespmem:s29+$0xFFFFFE20]  }
0x117: {  	v27 =	vmul.f32 v62, v6;
	v29 =	vmul.f32 v13, v5;
	v13, _, _ =	vpop (xrf2);
	(xrf2) =	vadd.scan.msk.f32 $0xffff, v20  }
0x118: {  	v30 =	vadd.f32 v21, v25;
	v21 =	vld [tilespmem:s29+$0xFFFFFE30];
	v63 =	vmul.f32 v23, v4  }
0x119: {  	v25 =	vunpack.i.l.bf16.f32 v26;
	v26 =	vunpack.i.u.bf16.f32 v26;
	v23 =	vadd.f32 v27, v14  }
0x11a: {  	s30 =	simm.s32 $0x0;
	s0 =	simm.s32 $0x40;
	v20 =	vadd.f32 v24, v22;
	v24 =	vmul.f32 v25, v6;
	v22 =	vld [tilespmem:s29+$0xFFFFFE40];
	v25 =	vadd.f32 v63, v29;
	v14, _, _ =	vpop (xrf2);
	(xrf2) =	vadd.scan.msk.f32 $0xffff, v30  }
.LBB2_5:
0x11b: {  	p0 =	sne.s32 s0, $0x680;
	v31 =	vmul.f32 v26, v7;
	v27 =	vunpack.i.u.bf16.f32 v19;
	v28 =	vunpack.i.l.bf16.f32 v19;
	v19, _, _ =	vpop (xrf2)  }
0x11c: {  	v28 =	vmul.f32 v28, v4;
	v27 =	vmul.f32 v27, v5;
	v29 =	vld [tilespmem:s29+$0xFFFFFEA0]  }
0x11d: {  	v23 =	vadd.f32 v25, v23;
	v24 =	vadd.f32 v24, v31;
	v30 =	vunpack.i.l.bf16.f32 v21;
	(xrf2) =	vadd.scan.msk.f32 $0xffff, v20  }
0x11e: {  	v21 =	vunpack.i.u.bf16.f32 v21;
	v20 =	vadd.f32 v28, v27;
	v25 =	vmul.f32 v30, v6;
	v26, _, _ =	vpop (xrf2)  }
0x11f: {  	v21 =	vmul.f32 v21, v7;
	v27 =	vunpack.i.u.bf16.f32 v22;
	v22 =	vunpack.i.l.bf16.f32 v22;
	v28 =	vld [tilespmem:s29+$0xFFFFFF00]  }
0x120: {  	v17 =	vunpack.i.u.bf16.f32 v17;
	v22 =	vmul.f32 v22, v4;
	v27 =	vmul.f32 v27, v5;
	(xrf2) =	vadd.scan.msk.f32 $0xffff, v23  }
0x121: {  	v17 =	vmul.f32 v17, v7;
	v20 =	vadd.f32 v20, v24;
	v23 =	vunpack.i.u.bf16.f32 v29;
	v24, _, _ =	vpop (xrf2)  }
0x122: {  	v21 =	vadd.f32 v25, v21;
	v25 =	vunpack.i.l.bf16.f32 v29;
	v30 =	vadd.f32 v22, v27;
	v27 =	vld [tilespmem:s29+$0xFFFFFF60]  }
0x123: {  	v15 =	vunpack.i.u.bf16.f32 v15;
	v25 =	vmul.f32 v25, v4;
	v23 =	vmul.f32 v23, v5;
	(xrf2) =	vadd.scan.msk.f32 $0xffff, v20  }
0x124: {  	v15 =	vmul.f32 v15, v7;
	v29 =	vadd.f32 v30, v21;
	v21 =	vunpack.i.u.bf16.f32 v28;
	v22, _, _ =	vpop (xrf2)  }
0x125: {  	v17 =	vadd.f32 v18, v17;
	v18 =	vadd.f32 v25, v23;
	v23 =	vunpack.i.l.bf16.f32 v28;
	v25 =	vld [tilespmem:s29+$0xFFFFFFC0]  }
0x126: {  	v10 =	vunpack.i.u.bf16.f32 v10;
	v23 =	vmul.f32 v23, v4;
	v21 =	vmul.f32 v21, v5;
	(xrf2) =	vadd.scan.msk.f32 $0xffff, v29  }
0x127: {  	v10 =	vmul.f32 v10, v7;
	v17 =	vadd.f32 v18, v17;
	v18 =	vunpack.i.u.bf16.f32 v27;
	v20, _, _ =	vpop (xrf2)  }
0x128: {  	v15 =	vadd.f32 v16, v15;
	v16 =	vadd.f32 v23, v21;
	v21 =	vunpack.i.l.bf16.f32 v27;
	v23 =	vld [tilespmem:s29+$0xFFFFFFF0]  }
0x129: {  	v8 =	vunpack.i.u.bf16.f32 v8;
	v21 =	vmul.f32 v21, v4;
	v18 =	vmul.f32 v18, v5;
	(xrf2) =	vadd.scan.msk.f32 $0xffff, v17  }
0x12a: {  	v8 =	vmul.f32 v8, v7;
	v15 =	vadd.f32 v16, v15;
	v16 =	vunpack.i.u.bf16.f32 v25;
	v17 =	vld [tilespmem:s29+$0x0];
	v27, _, _ =	vpop (xrf2)  }
0x12b: {  	v10 =	vadd.f32 v11, v10;
	v11 =	vadd.f32 v21, v18;
	v18 =	vunpack.i.l.bf16.f32 v25  }
0x12c: {  	v18 =	vmul.f32 v18, v4;
	v16 =	vmul.f32 v16, v5;
	(xrf2) =	vadd.scan.msk.f32 $0xffff, v15  }
0x12d: {  	v10 =	vadd.f32 v11, v10;
	v11 =	vunpack.i.u.bf16.f32 v23;
	v15 =	vunpack.i.l.bf16.f32 v23;
	v21, _, _ =	vpop (xrf2)  }
0x12e: {  	v8 =	vadd.f32 v9, v8;
	v9 =	vadd.f32 v18, v16;
	v15 =	vmul.f32 v15, v6  }
0x12f: {  	v11 =	vmul.f32 v11, v7;
	v18 =	vunpack.i.u.bf16.f32 v17;
	v17 =	vunpack.i.l.bf16.f32 v17;
	(xrf2) =	vadd.scan.msk.f32 $0xffff, v10  }
0x130: {  	v8 =	vadd.f32 v9, v8;
	v9 =	vmul.f32 v17, v4;
	v10 =	vmul.f32 v18, v5;
	v16, _, _ =	vpop (xrf2)  }
0x131: {  	v17 =	vbroadcast v21, $0xF;
	v16 =	vbroadcast v16, $0xF  }
0x132: {  	v18 =	vbroadcast v27, $0xF;
	v11 =	vadd.f32 v15, v11;
	v9 =	vadd.f32 v9, v10;
	(xrf2) =	vadd.scan.msk.f32 $0xffff, v8  }
0x133: {  	v10 =	vbroadcast v20, $0xF;
	v8 =	vsel vm0, v17, v16;
	v15, _, _ =	vpop (xrf2)  }
0x134: {  	v8 =	vsel vm1, v8, v18;
	v16 =	vbroadcast v15, $0xF;
	v9 =	vadd.f32 v9, v11  }
0x135: {  	v8 =	vsel vm2, v8, v10;
	v10 =	vbroadcast v22, $0xF  }
0x136: {  	v8 =	vsel vm3, v8, v16;
	v16 =	vbroadcast v24, $0xF;
	v15, _, _ =	vpop (xrf2);
	(xrf2) =	vadd.scan.msk.f32 $0xffff, v9  }
0x137: {  	v8 =	vsel vm4, v8, v10;
	v9 =	vbroadcast v15, $0xF  }
0x138: {  	v10 =	vbroadcast v26, $0xF;
	v8 =	vsel vm5, v8, v16  }
0x139: {  	v8 =	vsel vm6, v8, v9;
	v9 =	vbroadcast v19, $0xF;
	v11, _, _ =	vpop (xrf2)  }
0x13a: {  	v8 =	vsel vm7, v8, v10;
	v10 =	vbroadcast v11, $0xF  }
0x13b: {  	v8 =	vsel vm8, v8, v9;
	v9 =	vbroadcast v14, $0xF  }
0x13c: {  	v8 =	vsel vm9, v8, v10;
	v10 =	vbroadcast v13, $0xF;
	v11, _, _ =	vpop (xrf2)  }
0x13d: {  	v8 =	vsel vm10, v8, v9;
	v11 =	vbroadcast v11, $0xF  }
0x13e: {  	v8 =	vsel vm11, v8, v10;
	v10 =	vbroadcast v12, $0xF  }
0x13f: {  	v8 =	vsel vm12, v8, v11  }
0x140: {  	v8 =	vsel vm13, v8, v10;
	v9, _, _ =	vpop (xrf2)  }
0x141: {  	s1 =	sshra.s32 s30, $0x2;
	s30 =	smov.u32 s0;
	v8 =	vsel vm14, v8, v9  }
0x142: {  	s29 =	sadd.s32 $0x200, s29;
	[tilespmem:s1+$0x16080] =	vst v8  }
0x143: {  	v8 =	vld [tilespmem:s29+$0xFFFFFFD0];
	_ =	sdelay $0x1  }
0x144: {  	v9 =	vld [tilespmem:s29+$0xFFFFFFE0];
	_ =	sdelay $0x1  }
0x145: {  	v10 =	vld [tilespmem:s29+$0xFFFFFF90]  }
0x146: {  	v11 =	vunpack.i.l.bf16.f32 v8  }
0x147: {  	v13 =	vunpack.i.u.bf16.f32 v8;
	v12 =	vld [tilespmem:s29+$0xFFFFFFA0];
	v11 =	vmul.f32 v11, v6  }
0x148: {  	v13 =	vmul.f32 v13, v7;
	v8 =	vld [tilespmem:s29+$0xFFFFFFB0];
	v14 =	vunpack.i.u.bf16.f32 v9;
	v9 =	vunpack.i.l.bf16.f32 v9  }
0x149: {  	v15 =	vld [tilespmem:s29+$0xFFFFFF70];
	v9 =	vmul.f32 v9, v4;
	v14 =	vmul.f32 v14, v5  }
0x14a: {  	v11 =	vadd.f32 v11, v13;
	v16 =	vunpack.i.l.bf16.f32 v10  }
0x14b: {  	v10 =	vunpack.i.u.bf16.f32 v10;
	v13 =	vld [tilespmem:s29+$0xFFFFFF80];
	v16 =	vmul.f32 v16, v6;
	v14 =	vadd.f32 v9, v14  }
0x14c: {  	v9 =	vmul.f32 v10, v7;
	v10 =	vunpack.i.u.bf16.f32 v12;
	v12 =	vunpack.i.l.bf16.f32 v12  }
0x14d: {  	v17 =	vld [tilespmem:s29+$0xFFFFFF30];
	v12 =	vmul.f32 v12, v4;
	v10 =	vmul.f32 v10, v5;
	v18 =	vunpack.i.l.bf16.f32 v8  }
0x14e: {  	v16 =	vadd.f32 v16, v9;
	v19 =	vunpack.i.l.bf16.f32 v15;
	v9 =	vmul.f32 v18, v6  }
0x14f: {  	v15 =	vunpack.i.u.bf16.f32 v15;
	v18 =	vld [tilespmem:s29+$0xFFFFFF40];
	v19 =	vmul.f32 v19, v6;
	v12 =	vadd.f32 v12, v10  }
0x150: {  	v15 =	vmul.f32 v15, v7;
	v10 =	vld [tilespmem:s29+$0xFFFFFF50];
	v20 =	vunpack.i.u.bf16.f32 v13;
	v13 =	vunpack.i.l.bf16.f32 v13  }
0x151: {  	v14 =	vadd.f32 v14, v11;
	v21 =	vld [tilespmem:s29+$0xFFFFFF10];
	v13 =	vmul.f32 v13, v4;
	v20 =	vmul.f32 v20, v5  }
0x152: {  	v19 =	vadd.f32 v19, v15;
	v12 =	vadd.f32 v12, v16;
	v11 =	vunpack.i.l.bf16.f32 v17  }
0x153: {  	v15 =	vunpack.i.u.bf16.f32 v17;
	v16 =	vld [tilespmem:s29+$0xFFFFFF20];
	v11 =	vmul.f32 v11, v6;
	v13 =	vadd.f32 v13, v20  }
0x154: {  	v15 =	vmul.f32 v15, v7;
	v17 =	vunpack.i.u.bf16.f32 v18;
	v18 =	vunpack.i.l.bf16.f32 v18  }
0x155: {  	v20 =	vld [tilespmem:s29+$0xFFFFFED0];
	v18 =	vmul.f32 v18, v4;
	v17 =	vmul.f32 v17, v5;
	v22 =	vunpack.i.l.bf16.f32 v10  }
0x156: {  	v24 =	vadd.f32 v11, v15;
	v23 =	vunpack.i.l.bf16.f32 v21;
	v11 =	vmul.f32 v22, v6  }
0x157: {  	v21 =	vunpack.i.u.bf16.f32 v21;
	v22 =	vld [tilespmem:s29+$0xFFFFFEE0];
	v23 =	vmul.f32 v23, v6;
	v17 =	vadd.f32 v18, v17  }
0x158: {  	v18 =	vmul.f32 v21, v7;
	v15 =	vld [tilespmem:s29+$0xFFFFFEF0];
	v21 =	vunpack.i.u.bf16.f32 v16;
	v16 =	vunpack.i.l.bf16.f32 v16  }
0x159: {  	v13 =	vadd.f32 v13, v19;
	v25 =	vld [tilespmem:s29+$0xFFFFFEB0];
	v16 =	vmul.f32 v16, v4;
	v21 =	vmul.f32 v21, v5;
	(xrf2) =	vadd.scan.msk.f32 $0xffff, v14  }
0x15a: {  	v18 =	vadd.f32 v23, v18;
	v19 =	vadd.f32 v17, v24;
	v14 =	vunpack.i.l.bf16.f32 v20  }
0x15b: {  	v17 =	vunpack.i.u.bf16.f32 v20;
	v23 =	vld [tilespmem:s29+$0xFFFFFEC0];
	v14 =	vmul.f32 v14, v6;
	v20 =	vadd.f32 v16, v21  }
0x15c: {  	v16 =	vmul.f32 v17, v7;
	v17 =	vunpack.i.u.bf16.f32 v22;
	v21 =	vunpack.i.l.bf16.f32 v22;
	(xrf2) =	vadd.scan.msk.f32 $0xffff, v12  }
0x15d: {  	v12 =	vld [tilespmem:s29+$0xFFFFFE70];
	v21 =	vmul.f32 v21, v4;
	v17 =	vmul.f32 v17, v5;
	v22 =	vunpack.i.l.bf16.f32 v15  }
0x15e: {  	v14 =	vadd.f32 v14, v16;
	v24 =	vunpack.i.l.bf16.f32 v25;
	v16 =	vmul.f32 v22, v6  }
0x15f: {  	v25 =	vunpack.i.u.bf16.f32 v25;
	v22 =	vld [tilespmem:s29+$0xFFFFFE80];
	v24 =	vmul.f32 v24, v6;
	v21 =	vadd.f32 v21, v17;
	(xrf2) =	vadd.scan.msk.f32 $0xffff, v13  }
0x160: {  	v13 =	vmul.f32 v25, v7;
	v17 =	vld [tilespmem:s29+$0xFFFFFE90];
	v25 =	vunpack.i.u.bf16.f32 v23;
	v23 =	vunpack.i.l.bf16.f32 v23  }
0x161: {  	v18 =	vadd.f32 v20, v18;
	v26 =	vld [tilespmem:s29+$0xFFFFFE50];
	v23 =	vmul.f32 v23, v4;
	v25 =	vmul.f32 v25, v5  }
0x162: {  	v24 =	vadd.f32 v24, v13;
	v14 =	vadd.f32 v21, v14;
	v20 =	vunpack.i.l.bf16.f32 v12;
	(xrf2) =	vadd.scan.msk.f32 $0xffff, v19  }
0x163: {  	v13 =	vunpack.i.u.bf16.f32 v12;
	v21 =	vld [tilespmem:s29+$0xFFFFFE60];
	v19 =	vmul.f32 v20, v6;
	v20 =	vadd.f32 v23, v25;
	v12, _, _ =	vpop (xrf2)  }
0x164: {  	v30 =	vmul.f32 v13, v7;
	v23 =	vunpack.i.u.bf16.f32 v22;
	v22 =	vunpack.i.l.bf16.f32 v22  }
0x165: {  	v25 =	vld [tilespmem:s29+$0xFFFFFE10];
	v22 =	vmul.f32 v22, v4;
	v23 =	vmul.f32 v23, v5;
	v27 =	vunpack.i.l.bf16.f32 v17;
	(xrf2) =	vadd.scan.msk.f32 $0xffff, v18  }
0x166: {  	v29 =	vadd.f32 v19, v30;
	v28 =	vunpack.i.l.bf16.f32 v26;
	v18 =	vmul.f32 v27, v6;
	v13, _, _ =	vpop (xrf2)  }
.Ltmp1:
0x167: {  	v26 =	vunpack.i.u.bf16.f32 v26;
	v19 =	vld [tilespmem:s29+$0xFFFFFE20];
	v27 =	vmul.f32 v28, v6;
	v22 =	vadd.f32 v22, v23;
	(pc) =	sbr.rel @p0 .LBB2_5-.Ltmp1, $4  }
0x168: {  	v23 =	vmul.f32 v26, v7;
	v26 =	vunpack.i.u.bf16.f32 v21;
	v28 =	vunpack.i.l.bf16.f32 v21;
	(xrf2) =	vadd.scan.msk.f32 $0xffff, v14  }
0x169: {  	v31 =	vadd.f32 v20, v24;
	v21 =	vld [tilespmem:s29+$0xFFFFFE30];
	v28 =	vmul.f32 v28, v4;
	v30 =	vmul.f32 v26, v5;
	v14, _, _ =	vpop (xrf2)  }
0x16a: {  	v23 =	vadd.f32 v27, v23;
	v20 =	vadd.f32 v22, v29;
	v24 =	vunpack.i.l.bf16.f32 v25  }
0x16b: {  	s0 =	sadd.s32 $0x40, s0;
	v26 =	vunpack.i.u.bf16.f32 v25;
	v24 =	vmul.f32 v24, v6;
	v22 =	vld [tilespmem:s29+$0xFFFFFE40];
	v25 =	vadd.f32 v28, v30;
	(xrf2) =	vadd.scan.msk.f32 $0xffff, v31  }
0x16c: {  	v26 =	vmul.f32 v26, v7;
	v27 =	vunpack.i.u.bf16.f32 v19  }
0x16d: {  	v49 =	vunpack.i.l.bf16.f32 v19;
	v28 =	vld [tilespmem:s29+$0xFFFFFEA0];
	v17 =	vunpack.i.u.bf16.f32 v17;
	v15 =	vunpack.i.u.bf16.f32 v15  }
0x16e: {  	v19 =	vmul.f32 v49, v4;
	v27 =	vmul.f32 v27, v5;
	v50 =	vunpack.i.l.bf16.f32 v21  }
0x16f: {  	v23 =	vadd.f32 v25, v23;
	v51 =	vunpack.i.u.bf16.f32 v21;
	v52 =	vmul.f32 v50, v6  }
0x170: {  	v21 =	vmul.f32 v51, v7;
	v53 =	vunpack.i.u.bf16.f32 v22;
	v54 =	vunpack.i.l.bf16.f32 v22  }
0x171: {  	v55 =	vld [tilespmem:s29+$0xFFFFFF00];
	v24 =	vadd.f32 v24, v26;
	v22 =	vmul.f32 v54, v4;
	v26 =	vmul.f32 v53, v5  }
0x172: {  	v17 =	vmul.f32 v17, v7;
	v19 =	vadd.f32 v19, v27;
	v56 =	vunpack.i.u.bf16.f32 v28  }
0x173: {  	v21 =	vadd.f32 v52, v21;
	v57 =	vunpack.i.l.bf16.f32 v28;
	v22 =	vadd.f32 v22, v26  }
0x174: {  	v58 =	vld [tilespmem:s29+$0xFFFFFF60];
	(xrf2) =	vadd.scan.msk.f32 $0xffff, v20;
	v19 =	vadd.f32 v19, v24;
	v59 =	vmul.f32 v57, v4;
	v24 =	vmul.f32 v56, v5  }
0x175: {  	v15 =	vmul.f32 v15, v7;
	(xrf2) =	vadd.scan.msk.f32 $0xffff, v23;
	v17 =	vadd.f32 v18, v17;
	v21 =	vadd.f32 v22, v21  }
0x176: {  	v60 =	vunpack.i.u.bf16.f32 v55;
	v62 =	vunpack.i.l.bf16.f32 v55;
	(xrf2) =	vadd.scan.msk.f32 $0xffff, v19;
	v61 =	vadd.f32 v59, v24  }
0x177: {  	v63 =	vld [tilespmem:s29+$0xFFFFFFC0];
	v10 =	vunpack.i.u.bf16.f32 v10;
	v19 =	vmul.f32 v62, v4;
	v22 =	vmul.f32 v60, v5;
	(xrf2) =	vadd.scan.msk.f32 $0xffff, v21  }
0x178: {  	v10 =	vmul.f32 v10, v7;
	v15 =	vadd.f32 v16, v15;
	v17 =	vadd.f32 v61, v17  }
0x179: {  	v31 =	vld [tilespmem:s29+$0xFFFFFFF0];
	v28 =	vunpack.i.u.bf16.f32 v58;
	v30 =	vunpack.i.l.bf16.f32 v58;
	v29 =	vadd.f32 v19, v22  }
0x17a: {  	v32, _, _ =	vpop (xrf2);
	v8 =	vunpack.i.u.bf16.f32 v8;
	v35 =	vld [tilespmem:s29+$0x0];
	v18 =	vmul.f32 v28, v5;
	v19 =	vmul.f32 v30, v4;
	(xrf2) =	vadd.scan.msk.f32 $0xffff, v17  }
0x17b: {  	v8 =	vmul.f32 v8, v7;
	v33, _, _ =	vpop (xrf2);
	v10 =	vadd.f32 v11, v10;
	v15 =	vadd.f32 v29, v15  }
0x17c: {  	v34 =	vunpack.i.u.bf16.f32 v63;
	v38 =	vunpack.i.l.bf16.f32 v63;
	v36, _, _ =	vpop (xrf2);
	v37 =	vadd.f32 v19, v18  }
0x17d: {  	v16 =	vmul.f32 v34, v5;
	v39, _, _ =	vpop (xrf2);
	v18 =	vmul.f32 v38, v4;
	(xrf2) =	vadd.scan.msk.f32 $0xffff, v15  }
0x17e: {  	v8 =	vadd.f32 v9, v8;
	v41 =	vunpack.i.u.bf16.f32 v31;
	v40, _, _ =	vpop (xrf2);
	v10 =	vadd.f32 v37, v10  }
0x17f: {  	v42 =	vunpack.i.l.bf16.f32 v31;
	v48 =	vunpack.i.u.bf16.f32 v35;
	v43, _, _ =	vpop (xrf2);
	v44 =	vadd.f32 v18, v16  }
0x180: {  	v49 =	vunpack.i.l.bf16.f32 v35;
	v45 =	vmul.f32 v42, v6;
	v47 =	vmul.f32 v41, v7;
	v46, _, _ =	vpop (xrf2);
	(xrf2) =	vadd.scan.msk.f32 $0xffff, v10  }
0x181: {  	v5 =	vmul.f32 v48, v5;
	v4 =	vmul.f32 v49, v4;
	v8 =	vadd.f32 v44, v8;
	v50, _, _ =	vpop (xrf2)  }
0x182: {  	v51 =	vbroadcast v46, $0xF;
	v9 =	vbroadcast v50, $0xF  }
0x183: {  	v6 =	vadd.f32 v45, v47;
	v52 =	vbroadcast v43, $0xF;
	(xrf2) =	vadd.scan.msk.f32 $0xffff, v8  }
0x184: {  	v53 =	vbroadcast v40, $0xF;
	v4 =	vadd.f32 v4, v5;
	v54, _, _ =	vpop (xrf2);
	v5 =	vsel vm0, v51, v9  }
0x185: {  	v8 =	vbroadcast v54, $0xF;
	v5 =	vsel vm1, v5, v52  }
0x186: {  	v55 =	vbroadcast v39, $0xF;
	v4 =	vadd.f32 v4, v6;
	v5 =	vsel vm2, v5, v53  }
0x187: {  	v56 =	vbroadcast v36, $0xF;
	v57, _, _ =	vpop (xrf2);
	v5 =	vsel vm3, v5, v8  }
0x188: {  	(xrf2) =	vadd.scan.msk.f32 $0xffff, v4;
	v4 =	vsel vm4, v5, v55;
	v5 =	vbroadcast v57, $0xF  }
0x189: {  	v58 =	vbroadcast v33, $0xF;
	v4 =	vsel vm5, v4, v56  }
0x18a: {  	v59, _, _ =	vpop (xrf2);
	v4 =	vsel vm6, v4, v5;
	v5 =	vbroadcast v32, $0xF  }
0x18b: {  	v60 =	vbroadcast v59, $0xF;
	v4 =	vsel vm7, v4, v58  }
0x18c: {  	v4 =	vsel vm8, v4, v5;
	v5 =	vbroadcast v14, $0xF  }
0x18d: {  	v62, _, _ =	vpop (xrf2);
	v4 =	vsel vm9, v4, v60  }
0x18e: {  	v61 =	vbroadcast v13, $0xF;
	v4 =	vsel vm10, v4, v5;
	v5 =	vbroadcast v62, $0xF;
	_ =	sdelay $0x1  }
0x18f: {  	v63 =	vbroadcast v12, $0xF;
	v4 =	vsel vm11, v4, v61  }
0x190: {  	s0 =	sadd.s32 s3, s28;
	v4 =	vsel vm12, v4, v5  }
0x191: {  	s26 =	sadd.s32 $0x1, s26;
	s0 =	smul.u32 $0x36, s0;
	v4 =	vsel vm13, v4, v63;
	v5, _, _ =	vpop (xrf2)  }
0x192: {  	s1 =	sshra.s32 s30, $0x2;
	p0 =	sne.s32 s26, $0x40;
	v4 =	vsel vm14, v4, v5  }
.Ltmp2:
0x193: {  	s0 =	sadd.s32 s6, s0;
	[tilespmem:s1+$0x16080] =	vst v4;
	(pc) =	sbr.rel @p0 .LBB2_2-.Ltmp2, $4  }
0x194: {  	[hbm4b:s0+s2] =	stream.linear.scatter [tilespmem:s23], [sflag:$0x4], $0x1B0, $0x38;
	[tilespmem:$0x16230] =	vst v63  }
0x195: {  	_ =	swait.ge [sflag:s11], $0x1B0  }
0x196: {  	[sflag:s11] =	ssyncset.done $0x0  }
0x197: {  	[sflag:s11] =	ssyncadd.s32 $0xFFFFFE50  }
0x198: {  	s25 =	sadd.s32 $0x1, s25  }
0x199: {  	p0 =	sne.s32 s25, s10  }
.Ltmp3:
0x19a: {  	_ = 	snop;
	(pc) =	sbr.rel @p0 .LBB2_1-.Ltmp3, $1  }
0x19b: {  	_ =	sdelay $0x3  }
0x19c: {  	_ =	sfence.sel $0x180000  }
0x19d: {  	[bflag:$0x0] =	sbarrier.arrive $0xFFFF  }
0x19e: {  	_ =	strace $0x90000047  }
0x19f: {  	s0 =	stileid.u32;
	[bflag:$0x2] =	sbarrier.arrive $0xFFFF  }
0x1a0: {  	p0 =	sne.s32 s0, $0x0;
	s0 =	rddreg [dreg:$0x2]  }
0x1a1: {  	s0 =	sadd.s32 @!p0 $0x100000, s0  }
0x1a2: {  	[sflag:s0] =	ssyncadd.tile.s32 @!p0 $0x1;
	_ =	shalt  }
.Lfunc_end2:
_tile_overlayer_lowered:
.L_overlay_start_2:
0x1a3: {  	(tag) =	ssettag $0x2  }
0x1a4: {  	s0 =	rddreg [dreg:$0x0];
	s2 =	stileid.u32  }
0x1a5: {  	s1 =	rddreg [dreg:$0x1];
	p0 =	sne.s32 s2, $0x0  }
0x1a6: {  	s3 =	rddreg [dreg:$0x2];
	[bflag:$0x3] =	sbarrier.arrive $0xFFFF;
	s2 =	simm.s32 @!p0 $0x1C04  }
0x1a7: {  	[timem:s3], [sflag:s2] =	dma.local @!p0 [hbm:s0], s1  }
0x1a8: {  	s0 =	simm.s32 @!p0 $0x4  }
0x1a9: {  	_ =	swait.ge @!p0 [sflag:s0], s1  }
0x1aa: {  	s1 =	ssub.s32 @!p0 $0x0, s1;
	[sflag:s0] =	ssyncset.done @!p0 $0x0  }
0x1ab: {  	[sflag:s0] =	ssyncadd.s32 @!p0 s1  }
0x1ac: {  	[bflag:$0x3] =	sbarrier.arrive $0xFFFF  }
0x1ad: {  	_ =	shalt  }

</sc_bundles>
